<compile_context>
chip_gen: v7x
topology: tpu7x:2x2x1
jax: 0.10.2.dev20260603
libtpu: 0.0.44.dev20260713+nightly
codegen_flags: <defaults>
</compile_context>

<pallas_src>
import functools
import math

import jax
import jax.numpy as jnp
import numpy as np
from jax import lax
from jax.experimental import pallas as pl
from jax.experimental.pallas import tpu as pltpu
from jax.experimental.pallas import tpu_sc as plsc

_NW = 32
_NC = 2
_CH = 128
_NB = 4


def _scale_words(w, scale):
    c16 = float(np.float32(np.float16(scale)))
    c_total = c16 * 2.0**112
    c_sub = c16 * 2.0**-24

    def scale_half(h):
        s = h & 0x8000
        mag = h & 0x7FFF
        f_norm = lax.bitcast_convert_type(
            lax.shift_left(mag, 13), jnp.float32
        ) * c_total
        f_sub = mag.astype(jnp.float32) * c_sub
        f = jnp.where(mag < 1024, f_sub, f_norm)
        u = lax.bitcast_convert_type(f, jnp.int32)
        is_sub = u < (113 << 23)
        vsub = f + 0.5
        osub = lax.bitcast_convert_type(vsub, jnp.int32) - (126 << 23)
        mant_odd = lax.shift_right_logical(u, 13) & 1
        un = u + (((15 - 127) << 23) + 0xFFF) + mant_odd
        onorm = lax.shift_right_logical(un, 13)
        return jnp.where(is_sub, osub, onorm) | s

    lo = scale_half(w & 0xFFFF)
    hi = scale_half(lax.shift_right_logical(w, 16))
    return lo, hi


def _scale_dup_body(scale, t_ref, o_ref):
    w = t_ref.bitcast(jnp.int32)[...]
    lo, hi = _scale_words(w, scale)
    o_ref[0] = lo | lax.shift_left(lo, 16)
    o_ref[1] = hi | lax.shift_left(hi, 16)


def _finish_body(w_ref, o_ref):
    o_ref.bitcast(jnp.int32)[...] = w_ref[...]


@functools.lru_cache(maxsize=None)
def _build_gather(n_rows, emb_w, half_vocab):
    rpw = n_rows // _NW
    t = rpw // _CH
    dw = 2 * emb_w
    mesh = plsc.VectorSubcoreMesh(core_axis_name="c", subcore_axis_name="s")

    @functools.partial(
        pl.kernel,
        mesh=mesh,
        out_type=jax.ShapeDtypeStruct((n_rows, dw), jnp.bfloat16),
        scratch_types=[
            pltpu.VMEM((t, _CH), jnp.int32),
            pltpu.VMEM((_NB, _CH, dw), jnp.int32),
            pltpu.VMEM((2, _CH, dw), jnp.bfloat16),
            pltpu.SemaphoreType.DMA((_NB,)),
            pltpu.SemaphoreType.DMA((2,)),
        ],
        compiler_params=pltpu.CompilerParams(
            use_tc_tiling_on_sc=True, needs_layout_passes=False
        ),
    )
    def gather(table_hbm, idx_hbm, out_hbm, idx_v, bufs, obufs, sem_g, sem_w):
        wid = lax.axis_index("s") * _NC + lax.axis_index("c")
        wbase = wid * rpw

        pltpu.sync_copy(idx_hbm.at[pl.ds(wid * t, t)], idx_v)

        def remap(r, carry):
            for kk in range(_CH // 16):
                v = idx_v[r, pl.ds(16 * kk, 16)]
                idx_v[r, pl.ds(16 * kk, 16)] = (
                    (v & 1) * half_vocab + lax.shift_right_logical(v, 1)
                )
            return carry

        lax.fori_loop(0, t, remap, 0)

        def start_gather(j, b):
            pltpu.make_async_copy(
                table_hbm.at[idx_v.at[j]], bufs.at[b], sem_g.at[b]
            ).start()

        def wait_gather(b):
            pltpu.make_async_copy(
                table_hbm.at[pl.ds(0, _CH)], bufs.at[b], sem_g.at[b]
            ).wait()

        def start_write(j, ob):
            pltpu.make_async_copy(
                obufs.at[ob],
                out_hbm.at[pl.ds(wbase + j * _CH, _CH)],
                sem_w.at[ob],
            ).start()

        def wait_write(ob):
            pltpu.make_async_copy(
                obufs.at[ob], out_hbm.at[pl.ds(wbase, _CH)], sem_w.at[ob]
            ).wait()

        for b in range(_NB):
            start_gather(b, b)

        def compose(b, ob):
            @functools.partial(
                plsc.parallel_loop, 0, _CH // 2, unroll=8
            )
            def pair(i):
                for kk in range(dw // 16):
                    ga = bufs[b, 2 * i, pl.ds(16 * kk, 16)]
                    gb = bufs[b, 2 * i + 1, pl.ds(16 * kk, 16)]
                    w = (ga & 0xFFFF) | (gb & ~0xFFFF)
                    obufs[
                        ob, pl.ds(2 * i, 2), pl.ds(16 * kk, 16)
                    ] = plsc.bitcast(w, jnp.bfloat16)

        def outer(jj, carry):
            for b in range(_NB):
                ob = b % 2
                j = jj * _NB + b
                wait_gather(b)

                @pl.when(j >= 2)
                def _():
                    wait_write(ob)

                compose(b, ob)
                start_write(j, ob)

                @pl.when(j + _NB < t)
                def _():
                    start_gather(j + _NB, b)

            return carry

        lax.fori_loop(0, t // _NB, outer, 0)
        for ob in range(2):
            wait_write(ob)

    return gather


def kernel(x, table):
    vocab, emb_dim = table.shape
    batch, seq = x.shape
    n_rows = batch * seq
    emb_w = emb_dim // 2
    scale = math.sqrt(emb_dim)

    tbits = lax.bitcast_convert_type(table, jnp.bfloat16)

    tblk = 4000
    p3 = pl.pallas_call(
        functools.partial(_scale_dup_body, scale),
        out_shape=jax.ShapeDtypeStruct((2, vocab // 2, 2 * emb_w), jnp.int32),
        grid=(vocab // tblk,),
        in_specs=[pl.BlockSpec((tblk, emb_dim), lambda i: (i, 0))],
        out_specs=pl.BlockSpec(
            (2, tblk // 2, 2 * emb_w), lambda i: (0, i, 0)
        ),
    )(tbits)

    idx = x.reshape(n_rows // _CH, _CH)
    gather = _build_gather(n_rows, emb_w, vocab // 2)
    out32 = gather(p3.reshape(vocab, 2 * emb_w), idx)

    out = lax.bitcast_convert_type(out32, table.dtype)
    return out.reshape(batch, seq, emb_dim)

# --- scband reference (transcript-rebuilt; emitter-appended) ---
"""Pipeline reference for scband-input-embedding-layer-59674275610711 (READ-ONLY COPY).

The authoritative reference and input builder live on the scoring server;
editing this copy changes nothing except your own understanding.
"""

import jax, jax.numpy as jnp
import numpy as np
import math

VOCAB = 100000
EMB_DIM = 128
BATCH = 4096
SEQ = 200


def setup_inputs(seed: int = 0) -> dict:
    key = jax.random.key(seed)
    k1, k2 = jax.random.split(key)
    x = jax.random.randint(k1, (BATCH, SEQ), 0, VOCAB, dtype=jnp.int32)
    # learned embedding table, fp16 as in the torch module
    table = jax.random.normal(k2, (VOCAB, EMB_DIM), dtype=jnp.float16)
    return {"x": x, "table": table}


def reference(x, table):
    # nn.Embedding lookup -> gather rows, then scale by sqrt(emb_dim)
    emb = jnp.take(table, x, axis=0)
    scale = jnp.asarray(math.sqrt(EMB_DIM), dtype=table.dtype)
    return emb * scale

if __name__ == "__main__":
    import jax
    _d = setup_inputs()
    print(jax.jit(kernel)(*tuple(_d.values())))

</pallas_src>

<mosaic_0001>
#map = affine_map<(d0, d1) -> (0, 0)>
module attributes {stable_mosaic.version = 14 : i64} {
  func.func @gather(%arg0: i32, %arg1: i32, %arg2: memref<100000x128xi32, #tpu.memory_space<hbm>>, %arg3: memref<6400x128xi32, #tpu.memory_space<hbm>>, %arg4: memref<819200x128xbf16, #tpu.memory_space<hbm>>, %arg5: memref<200x128xi32, #tpu.memory_space<vmem>>, %arg6: memref<4x128x128xi32, #tpu.memory_space<vmem>>, %arg7: memref<2x128x128xbf16, #tpu.memory_space<vmem>>, %arg8: memref<4x!tpu.dma_semaphore, #tpu.memory_space<semaphore_mem>>, %arg9: memref<2x!tpu.dma_semaphore, #tpu.memory_space<semaphore_mem>>) attributes {dimension_semantics = [#tpu.dimension_semantics<core_parallel>, #tpu.dimension_semantics<subcore_parallel>], iteration_bounds = array<i64: 2, 16>, scalar_prefetch = 0 : i64, scratch_operands = 5 : i64, tpu.core_type = #tpu.core_type<sc_vector_subcore>, window_params = [{transform_indices = #map}, {transform_indices = #map}, {transform_indices = #map}]} {
    %mul3A = arith.constant 2 : i32
    %mul3A_0 = arith.muli %arg1, %mul3A : i32
    %add3A = arith.addi %mul3A_0, %arg0 : i32
    %mul3A_1 = arith.constant 25600 : i32
    %mul3A_2 = arith.muli %add3A, %mul3A_1 : i32
    %mul3A_3 = arith.constant 200 : i32
    %mul3A_4 = arith.muli %add3A, %mul3A_3 : i32
    "tpu.region"() ({
      %run_scoped3A = tpu.sem_alloc : memref<!tpu.dma_semaphore, #tpu.memory_space<semaphore_mem>>
      %dma_start3A_106 = arith.constant 0 : i32
      %dma_start3A_107 = tpu.memref_slice %arg3[%mul3A_4, %dma_start3A_106] : memref<6400x128xi32, #tpu.memory_space<hbm>> -> memref<200x128xi32, #tpu.memory_space<hbm>>
      %dma_start3A_108 = arith.constant 0 : i32
      %dma_start3A_109 = tpu.memref_slice %arg3[%mul3A_4, %dma_start3A_108] : memref<6400x128xi32, #tpu.memory_space<hbm>> -> memref<200x128xi32, #tpu.memory_space<hbm>>
      tpu.enqueue_dma source(%dma_start3A_109 : memref<200x128xi32, #tpu.memory_space<hbm>>) target(%arg5 : memref<200x128xi32, #tpu.memory_space<vmem>>) target_semaphore(%run_scoped3A : memref<!tpu.dma_semaphore, #tpu.memory_space<semaphore_mem>>)
      %dma_wait3A_110 = arith.constant 0 : i32
      %dma_wait3A_111 = tpu.memref_slice %arg3[%mul3A_4, %dma_wait3A_110] : memref<6400x128xi32, #tpu.memory_space<hbm>> -> memref<200x128xi32, #tpu.memory_space<hbm>>
      %dma_wait3A_112 = arith.constant 0 : i32
      %dma_wait3A_113 = tpu.memref_slice %arg3[%mul3A_4, %dma_wait3A_112] : memref<6400x128xi32, #tpu.memory_space<hbm>> -> memref<200x128xi32, #tpu.memory_space<hbm>>
      tpu.wait_dma2 semaphore(%run_scoped3A : memref<!tpu.dma_semaphore, #tpu.memory_space<semaphore_mem>>) src(%dma_wait3A_113 : memref<200x128xi32, #tpu.memory_space<hbm>>) dst(%arg5 : memref<200x128xi32, #tpu.memory_space<vmem>>)
      tpu.yield
    }) : () -> ()
    %scan3A = arith.constant 0 : i32
    %scan3A_5 = arith.constant 0 : i32
    %scan3A_6 = arith.constant 200 : i32
    %scan3A_7 = arith.addi %scan3A_5, %scan3A_6 : i32
    %scan3A_8 = arith.constant 1 : i32
    scf.for %scan3A_106 = %scan3A_5 to %scan3A_7 step %scan3A_8  : i32 {
      %get3A = arith.index_cast %scan3A_106 : i32 to index
      %get3A_107 = arith.constant 0 : index
      %get3A_108 = tpu.vector_load %arg5[%get3A, %get3A_107] {strides = array<i32>} : memref<200x128xi32, #tpu.memory_space<vmem>>, vector<16xi32>,
      %and3A = arith.constant 1 : i32
      %and3A_109 = vector.broadcast %and3A : i32 to vector<16xi32>
      %and3A_110 = arith.andi %get3A_108, %and3A_109 : vector<16xi32>
      %mul3A_111 = arith.constant 50000 : i32
      %mul3A_112 = vector.broadcast %mul3A_111 : i32 to vector<16xi32>
      %mul3A_113 = arith.muli %and3A_110, %mul3A_112 : vector<16xi32>
      %shift_right_logical3A = arith.constant 1 : i32
      %shift_right_logical3A_114 = vector.broadcast %shift_right_logical3A : i32 to vector<16xi32>
      %shift_right_logical3A_115 = arith.shrui %get3A_108, %shift_right_logical3A_114 : vector<16xi32>
      %add3A_116 = arith.addi %mul3A_113, %shift_right_logical3A_115 : vector<16xi32>
      %swap3A = arith.index_cast %scan3A_106 : i32 to index
      %swap3A_117 = arith.constant 0 : index
      %swap3A_118 = tpu.vector_load %arg5[%swap3A, %swap3A_117] {strides = array<i32>} : memref<200x128xi32, #tpu.memory_space<vmem>>, vector<16xi32>,
      tpu.vector_store %arg5[%swap3A, %swap3A_117], %add3A_116 {strides = array<i32>} : memref<200x128xi32, #tpu.memory_space<vmem>>, vector<16xi32>,
      %get3A_119 = arith.index_cast %scan3A_106 : i32 to index
      %get3A_120 = arith.constant 16 : index
      %get3A_121 = tpu.vector_load %arg5[%get3A_119, %get3A_120] {strides = array<i32>} : memref<200x128xi32, #tpu.memory_space<vmem>>, vector<16xi32>,
      %and3A_122 = arith.constant 1 : i32
      %and3A_123 = vector.broadcast %and3A_122 : i32 to vector<16xi32>
      %and3A_124 = arith.andi %get3A_121, %and3A_123 : vector<16xi32>
      %mul3A_125 = arith.constant 50000 : i32
      %mul3A_126 = vector.broadcast %mul3A_125 : i32 to vector<16xi32>
      %mul3A_127 = arith.muli %and3A_124, %mul3A_126 : vector<16xi32>
      %shift_right_logical3A_128 = arith.constant 1 : i32
      %shift_right_logical3A_129 = vector.broadcast %shift_right_logical3A_128 : i32 to vector<16xi32>
      %shift_right_logical3A_130 = arith.shrui %get3A_121, %shift_right_logical3A_129 : vector<16xi32>
      %add3A_131 = arith.addi %mul3A_127, %shift_right_logical3A_130 : vector<16xi32>
      %swap3A_132 = arith.index_cast %scan3A_106 : i32 to index
      %swap3A_133 = arith.constant 16 : index
      %swap3A_134 = tpu.vector_load %arg5[%swap3A_132, %swap3A_133] {strides = array<i32>} : memref<200x128xi32, #tpu.memory_space<vmem>>, vector<16xi32>,
      tpu.vector_store %arg5[%swap3A_132, %swap3A_133], %add3A_131 {strides = array<i32>} : memref<200x128xi32, #tpu.memory_space<vmem>>, vector<16xi32>,
      %get3A_135 = arith.index_cast %scan3A_106 : i32 to index
      %get3A_136 = arith.constant 32 : index
      %get3A_137 = tpu.vector_load %arg5[%get3A_135, %get3A_136] {strides = array<i32>} : memref<200x128xi32, #tpu.memory_space<vmem>>, vector<16xi32>,
      %and3A_138 = arith.constant 1 : i32
      %and3A_139 = vector.broadcast %and3A_138 : i32 to vector<16xi32>
      %and3A_140 = arith.andi %get3A_137, %and3A_139 : vector<16xi32>
      %mul3A_141 = arith.constant 50000 : i32
      %mul3A_142 = vector.broadcast %mul3A_141 : i32 to vector<16xi32>
      %mul3A_143 = arith.muli %and3A_140, %mul3A_142 : vector<16xi32>
      %shift_right_logical3A_144 = arith.constant 1 : i32
      %shift_right_logical3A_145 = vector.broadcast %shift_right_logical3A_144 : i32 to vector<16xi32>
      %shift_right_logical3A_146 = arith.shrui %get3A_137, %shift_right_logical3A_145 : vector<16xi32>
      %add3A_147 = arith.addi %mul3A_143, %shift_right_logical3A_146 : vector<16xi32>
      %swap3A_148 = arith.index_cast %scan3A_106 : i32 to index
      %swap3A_149 = arith.constant 32 : index
      %swap3A_150 = tpu.vector_load %arg5[%swap3A_148, %swap3A_149] {strides = array<i32>} : memref<200x128xi32, #tpu.memory_space<vmem>>, vector<16xi32>,
      tpu.vector_store %arg5[%swap3A_148, %swap3A_149], %add3A_147 {strides = array<i32>} : memref<200x128xi32, #tpu.memory_space<vmem>>, vector<16xi32>,
      %get3A_151 = arith.index_cast %scan3A_106 : i32 to index
      %get3A_152 = arith.constant 48 : index
      %get3A_153 = tpu.vector_load %arg5[%get3A_151, %get3A_152] {strides = array<i32>} : memref<200x128xi32, #tpu.memory_space<vmem>>, vector<16xi32>,
      %and3A_154 = arith.constant 1 : i32
      %and3A_155 = vector.broadcast %and3A_154 : i32 to vector<16xi32>
      %and3A_156 = arith.andi %get3A_153, %and3A_155 : vector<16xi32>
      %mul3A_157 = arith.constant 50000 : i32
      %mul3A_158 = vector.broadcast %mul3A_157 : i32 to vector<16xi32>
      %mul3A_159 = arith.muli %and3A_156, %mul3A_158 : vector<16xi32>
      %shift_right_logical3A_160 = arith.constant 1 : i32
      %shift_right_logical3A_161 = vector.broadcast %shift_right_logical3A_160 : i32 to vector<16xi32>
      %shift_right_logical3A_162 = arith.shrui %get3A_153, %shift_right_logical3A_161 : vector<16xi32>
      %add3A_163 = arith.addi %mul3A_159, %shift_right_logical3A_162 : vector<16xi32>
      %swap3A_164 = arith.index_cast %scan3A_106 : i32 to index
      %swap3A_165 = arith.constant 48 : index
      %swap3A_166 = tpu.vector_load %arg5[%swap3A_164, %swap3A_165] {strides = array<i32>} : memref<200x128xi32, #tpu.memory_space<vmem>>, vector<16xi32>,
      tpu.vector_store %arg5[%swap3A_164, %swap3A_165], %add3A_163 {strides = array<i32>} : memref<200x128xi32, #tpu.memory_space<vmem>>, vector<16xi32>,
      %get3A_167 = arith.index_cast %scan3A_106 : i32 to index
      %get3A_168 = arith.constant 64 : index
      %get3A_169 = tpu.vector_load %arg5[%get3A_167, %get3A_168] {strides = array<i32>} : memref<200x128xi32, #tpu.memory_space<vmem>>, vector<16xi32>,
      %and3A_170 = arith.constant 1 : i32
      %and3A_171 = vector.broadcast %and3A_170 : i32 to vector<16xi32>
      %and3A_172 = arith.andi %get3A_169, %and3A_171 : vector<16xi32>
      %mul3A_173 = arith.constant 50000 : i32
      %mul3A_174 = vector.broadcast %mul3A_173 : i32 to vector<16xi32>
      %mul3A_175 = arith.muli %and3A_172, %mul3A_174 : vector<16xi32>
      %shift_right_logical3A_176 = arith.constant 1 : i32
      %shift_right_logical3A_177 = vector.broadcast %shift_right_logical3A_176 : i32 to vector<16xi32>
      %shift_right_logical3A_178 = arith.shrui %get3A_169, %shift_right_logical3A_177 : vector<16xi32>
      %add3A_179 = arith.addi %mul3A_175, %shift_right_logical3A_178 : vector<16xi32>
      %swap3A_180 = arith.index_cast %scan3A_106 : i32 to index
      %swap3A_181 = arith.constant 64 : index
      %swap3A_182 = tpu.vector_load %arg5[%swap3A_180, %swap3A_181] {strides = array<i32>} : memref<200x128xi32, #tpu.memory_space<vmem>>, vector<16xi32>,
      tpu.vector_store %arg5[%swap3A_180, %swap3A_181], %add3A_179 {strides = array<i32>} : memref<200x128xi32, #tpu.memory_space<vmem>>, vector<16xi32>,
      %get3A_183 = arith.index_cast %scan3A_106 : i32 to index
      %get3A_184 = arith.constant 80 : index
      %get3A_185 = tpu.vector_load %arg5[%get3A_183, %get3A_184] {strides = array<i32>} : memref<200x128xi32, #tpu.memory_space<vmem>>, vector<16xi32>,
      %and3A_186 = arith.constant 1 : i32
      %and3A_187 = vector.broadcast %and3A_186 : i32 to vector<16xi32>
      %and3A_188 = arith.andi %get3A_185, %and3A_187 : vector<16xi32>
      %mul3A_189 = arith.constant 50000 : i32
      %mul3A_190 = vector.broadcast %mul3A_189 : i32 to vector<16xi32>
      %mul3A_191 = arith.muli %and3A_188, %mul3A_190 : vector<16xi32>
      %shift_right_logical3A_192 = arith.constant 1 : i32
      %shift_right_logical3A_193 = vector.broadcast %shift_right_logical3A_192 : i32 to vector<16xi32>
      %shift_right_logical3A_194 = arith.shrui %get3A_185, %shift_right_logical3A_193 : vector<16xi32>
      %add3A_195 = arith.addi %mul3A_191, %shift_right_logical3A_194 : vector<16xi32>
      %swap3A_196 = arith.index_cast %scan3A_106 : i32 to index
      %swap3A_197 = arith.constant 80 : index
      %swap3A_198 = tpu.vector_load %arg5[%swap3A_196, %swap3A_197] {strides = array<i32>} : memref<200x128xi32, #tpu.memory_space<vmem>>, vector<16xi32>,
      tpu.vector_store %arg5[%swap3A_196, %swap3A_197], %add3A_195 {strides = array<i32>} : memref<200x128xi32, #tpu.memory_space<vmem>>, vector<16xi32>,
      %get3A_199 = arith.index_cast %scan3A_106 : i32 to index
      %get3A_200 = arith.constant 96 : index
      %get3A_201 = tpu.vector_load %arg5[%get3A_199, %get3A_200] {strides = array<i32>} : memref<200x128xi32, #tpu.memory_space<vmem>>, vector<16xi32>,
      %and3A_202 = arith.constant 1 : i32
      %and3A_203 = vector.broadcast %and3A_202 : i32 to vector<16xi32>
      %and3A_204 = arith.andi %get3A_201, %and3A_203 : vector<16xi32>
      %mul3A_205 = arith.constant 50000 : i32
      %mul3A_206 = vector.broadcast %mul3A_205 : i32 to vector<16xi32>
      %mul3A_207 = arith.muli %and3A_204, %mul3A_206 : vector<16xi32>
      %shift_right_logical3A_208 = arith.constant 1 : i32
      %shift_right_logical3A_209 = vector.broadcast %shift_right_logical3A_208 : i32 to vector<16xi32>
      %shift_right_logical3A_210 = arith.shrui %get3A_201, %shift_right_logical3A_209 : vector<16xi32>
      %add3A_211 = arith.addi %mul3A_207, %shift_right_logical3A_210 : vector<16xi32>
      %swap3A_212 = arith.index_cast %scan3A_106 : i32 to index
      %swap3A_213 = arith.constant 96 : index
      %swap3A_214 = tpu.vector_load %arg5[%swap3A_212, %swap3A_213] {strides = array<i32>} : memref<200x128xi32, #tpu.memory_space<vmem>>, vector<16xi32>,
      tpu.vector_store %arg5[%swap3A_212, %swap3A_213], %add3A_211 {strides = array<i32>} : memref<200x128xi32, #tpu.memory_space<vmem>>, vector<16xi32>,
      %get3A_215 = arith.index_cast %scan3A_106 : i32 to index
      %get3A_216 = arith.constant 112 : index
      %get3A_217 = tpu.vector_load %arg5[%get3A_215, %get3A_216] {strides = array<i32>} : memref<200x128xi32, #tpu.memory_space<vmem>>, vector<16xi32>,
      %and3A_218 = arith.constant 1 : i32
      %and3A_219 = vector.broadcast %and3A_218 : i32 to vector<16xi32>
      %and3A_220 = arith.andi %get3A_217, %and3A_219 : vector<16xi32>
      %mul3A_221 = arith.constant 50000 : i32
      %mul3A_222 = vector.broadcast %mul3A_221 : i32 to vector<16xi32>
      %mul3A_223 = arith.muli %and3A_220, %mul3A_222 : vector<16xi32>
      %shift_right_logical3A_224 = arith.constant 1 : i32
      %shift_right_logical3A_225 = vector.broadcast %shift_right_logical3A_224 : i32 to vector<16xi32>
      %shift_right_logical3A_226 = arith.shrui %get3A_217, %shift_right_logical3A_225 : vector<16xi32>
      %add3A_227 = arith.addi %mul3A_223, %shift_right_logical3A_226 : vector<16xi32>
      %swap3A_228 = arith.index_cast %scan3A_106 : i32 to index
      %swap3A_229 = arith.constant 112 : index
      %swap3A_230 = tpu.vector_load %arg5[%swap3A_228, %swap3A_229] {strides = array<i32>} : memref<200x128xi32, #tpu.memory_space<vmem>>, vector<16xi32>,
      tpu.vector_store %arg5[%swap3A_228, %swap3A_229], %add3A_227 {strides = array<i32>} : memref<200x128xi32, #tpu.memory_space<vmem>>, vector<16xi32>,
    }
    %scan3A_9 = arith.constant 200 : i32
    %dma_start3A = arith.constant 0 : i32
    %dma_start3A_10 = arith.constant 0 : i32
    %dma_start3A_11 = arith.constant 0 : i32
    %dma_start3A_12 = arith.constant 0 : i32
    %dma_start3A_13 = arith.constant 0 : i32
    %dma_start3A_14 = tpu.memref_slice %arg6[%dma_start3A_10, %dma_start3A_12, %dma_start3A_13] : memref<4x128x128xi32, #tpu.memory_space<vmem>> -> memref<1x128x128xi32, #tpu.memory_space<vmem>>
    %dma_start3A_15 = tpu.memref_squeeze %dma_start3A_14 : memref<1x128x128xi32, #tpu.memory_space<vmem>> -> memref<128x128xi32, #tpu.memory_space<vmem>>
    %dma_start3A_16 = arith.constant 0 : i32
    %dma_start3A_17 = tpu.memref_slice %arg5[%dma_start3A, %dma_start3A_16] : memref<200x128xi32, #tpu.memory_space<vmem>> -> memref<1x128xi32, #tpu.memory_space<vmem>>
    %dma_start3A_18 = tpu.memref_squeeze %dma_start3A_17 : memref<1x128xi32, #tpu.memory_space<vmem>> -> memref<128xi32, #tpu.memory_space<vmem>>
    %dma_start3A_19 = arith.constant 0 : i32
    %dma_start3A_20 = arith.constant 0 : i32
    %dma_start3A_21 = tpu.memref_slice %arg2[%dma_start3A_19, %dma_start3A_20] : memref<100000x128xi32, #tpu.memory_space<hbm>> -> memref<100000x128xi32, #tpu.memory_space<hbm>>
    %dma_start3A_22 = tpu.memref_slice %arg8[%dma_start3A_11] : memref<4x!tpu.dma_semaphore, #tpu.memory_space<semaphore_mem>> -> memref<1x!tpu.dma_semaphore, #tpu.memory_space<semaphore_mem>>
    %dma_start3A_23 = tpu.memref_squeeze %dma_start3A_22 : memref<1x!tpu.dma_semaphore, #tpu.memory_space<semaphore_mem>> -> memref<!tpu.dma_semaphore, #tpu.memory_space<semaphore_mem>>
    tpu.enqueue_indirect_dma source(%dma_start3A_21 : memref<100000x128xi32, #tpu.memory_space<hbm>>) target(%dma_start3A_15 : memref<128x128xi32, #tpu.memory_space<vmem>>) offsets(%dma_start3A_18 : memref<128xi32, #tpu.memory_space<vmem>>) semaphore(%dma_start3A_23 : memref<!tpu.dma_semaphore, #tpu.memory_space<semaphore_mem>>)
    %dma_start3A_24 = arith.constant 1 : i32
    %dma_start3A_25 = arith.constant 1 : i32
    %dma_start3A_26 = arith.constant 1 : i32
    %dma_start3A_27 = arith.constant 0 : i32
    %dma_start3A_28 = arith.constant 0 : i32
    %dma_start3A_29 = tpu.memref_slice %arg6[%dma_start3A_25, %dma_start3A_27, %dma_start3A_28] : memref<4x128x128xi32, #tpu.memory_space<vmem>> -> memref<1x128x128xi32, #tpu.memory_space<vmem>>
    %dma_start3A_30 = tpu.memref_squeeze %dma_start3A_29 : memref<1x128x128xi32, #tpu.memory_space<vmem>> -> memref<128x128xi32, #tpu.memory_space<vmem>>
    %dma_start3A_31 = arith.constant 0 : i32
    %dma_start3A_32 = tpu.memref_slice %arg5[%dma_start3A_24, %dma_start3A_31] : memref<200x128xi32, #tpu.memory_space<vmem>> -> memref<1x128xi32, #tpu.memory_space<vmem>>
    %dma_start3A_33 = tpu.memref_squeeze %dma_start3A_32 : memref<1x128xi32, #tpu.memory_space<vmem>> -> memref<128xi32, #tpu.memory_space<vmem>>
    %dma_start3A_34 = arith.constant 0 : i32
    %dma_start3A_35 = arith.constant 0 : i32
    %dma_start3A_36 = tpu.memref_slice %arg2[%dma_start3A_34, %dma_start3A_35] : memref<100000x128xi32, #tpu.memory_space<hbm>> -> memref<100000x128xi32, #tpu.memory_space<hbm>>
    %dma_start3A_37 = tpu.memref_slice %arg8[%dma_start3A_26] : memref<4x!tpu.dma_semaphore, #tpu.memory_space<semaphore_mem>> -> memref<1x!tpu.dma_semaphore, #tpu.memory_space<semaphore_mem>>
    %dma_start3A_38 = tpu.memref_squeeze %dma_start3A_37 : memref<1x!tpu.dma_semaphore, #tpu.memory_space<semaphore_mem>> -> memref<!tpu.dma_semaphore, #tpu.memory_space<semaphore_mem>>
    tpu.enqueue_indirect_dma source(%dma_start3A_36 : memref<100000x128xi32, #tpu.memory_space<hbm>>) target(%dma_start3A_30 : memref<128x128xi32, #tpu.memory_space<vmem>>) offsets(%dma_start3A_33 : memref<128xi32, #tpu.memory_space<vmem>>) semaphore(%dma_start3A_38 : memref<!tpu.dma_semaphore, #tpu.memory_space<semaphore_mem>>)
    %dma_start3A_39 = arith.constant 2 : i32
    %dma_start3A_40 = arith.constant 2 : i32
    %dma_start3A_41 = arith.constant 2 : i32
    %dma_start3A_42 = arith.constant 0 : i32
    %dma_start3A_43 = arith.constant 0 : i32
    %dma_start3A_44 = tpu.memref_slice %arg6[%dma_start3A_40, %dma_start3A_42, %dma_start3A_43] : memref<4x128x128xi32, #tpu.memory_space<vmem>> -> memref<1x128x128xi32, #tpu.memory_space<vmem>>
    %dma_start3A_45 = tpu.memref_squeeze %dma_start3A_44 : memref<1x128x128xi32, #tpu.memory_space<vmem>> -> memref<128x128xi32, #tpu.memory_space<vmem>>
    %dma_start3A_46 = arith.constant 0 : i32
    %dma_start3A_47 = tpu.memref_slice %arg5[%dma_start3A_39, %dma_start3A_46] : memref<200x128xi32, #tpu.memory_space<vmem>> -> memref<1x128xi32, #tpu.memory_space<vmem>>
    %dma_start3A_48 = tpu.memref_squeeze %dma_start3A_47 : memref<1x128xi32, #tpu.memory_space<vmem>> -> memref<128xi32, #tpu.memory_space<vmem>>
    %dma_start3A_49 = arith.constant 0 : i32
    %dma_start3A_50 = arith.constant 0 : i32
    %dma_start3A_51 = tpu.memref_slice %arg2[%dma_start3A_49, %dma_start3A_50] : memref<100000x128xi32, #tpu.memory_space<hbm>> -> memref<100000x128xi32, #tpu.memory_space<hbm>>
    %dma_start3A_52 = tpu.memref_slice %arg8[%dma_start3A_41] : memref<4x!tpu.dma_semaphore, #tpu.memory_space<semaphore_mem>> -> memref<1x!tpu.dma_semaphore, #tpu.memory_space<semaphore_mem>>
    %dma_start3A_53 = tpu.memref_squeeze %dma_start3A_52 : memref<1x!tpu.dma_semaphore, #tpu.memory_space<semaphore_mem>> -> memref<!tpu.dma_semaphore, #tpu.memory_space<semaphore_mem>>
    tpu.enqueue_indirect_dma source(%dma_start3A_51 : memref<100000x128xi32, #tpu.memory_space<hbm>>) target(%dma_start3A_45 : memref<128x128xi32, #tpu.memory_space<vmem>>) offsets(%dma_start3A_48 : memref<128xi32, #tpu.memory_space<vmem>>) semaphore(%dma_start3A_53 : memref<!tpu.dma_semaphore, #tpu.memory_space<semaphore_mem>>)
    %dma_start3A_54 = arith.constant 3 : i32
    %dma_start3A_55 = arith.constant 3 : i32
    %dma_start3A_56 = arith.constant 3 : i32
    %dma_start3A_57 = arith.constant 0 : i32
    %dma_start3A_58 = arith.constant 0 : i32
    %dma_start3A_59 = tpu.memref_slice %arg6[%dma_start3A_55, %dma_start3A_57, %dma_start3A_58] : memref<4x128x128xi32, #tpu.memory_space<vmem>> -> memref<1x128x128xi32, #tpu.memory_space<vmem>>
    %dma_start3A_60 = tpu.memref_squeeze %dma_start3A_59 : memref<1x128x128xi32, #tpu.memory_space<vmem>> -> memref<128x128xi32, #tpu.memory_space<vmem>>
    %dma_start3A_61 = arith.constant 0 : i32
    %dma_start3A_62 = tpu.memref_slice %arg5[%dma_start3A_54, %dma_start3A_61] : memref<200x128xi32, #tpu.memory_space<vmem>> -> memref<1x128xi32, #tpu.memory_space<vmem>>
    %dma_start3A_63 = tpu.memref_squeeze %dma_start3A_62 : memref<1x128xi32, #tpu.memory_space<vmem>> -> memref<128xi32, #tpu.memory_space<vmem>>
    %dma_start3A_64 = arith.constant 0 : i32
    %dma_start3A_65 = arith.constant 0 : i32
    %dma_start3A_66 = tpu.memref_slice %arg2[%dma_start3A_64, %dma_start3A_65] : memref<100000x128xi32, #tpu.memory_space<hbm>> -> memref<100000x128xi32, #tpu.memory_space<hbm>>
    %dma_start3A_67 = tpu.memref_slice %arg8[%dma_start3A_56] : memref<4x!tpu.dma_semaphore, #tpu.memory_space<semaphore_mem>> -> memref<1x!tpu.dma_semaphore, #tpu.memory_space<semaphore_mem>>
    %dma_start3A_68 = tpu.memref_squeeze %dma_start3A_67 : memref<1x!tpu.dma_semaphore, #tpu.memory_space<semaphore_mem>> -> memref<!tpu.dma_semaphore, #tpu.memory_space<semaphore_mem>>
    tpu.enqueue_indirect_dma source(%dma_start3A_66 : memref<100000x128xi32, #tpu.memory_space<hbm>>) target(%dma_start3A_60 : memref<128x128xi32, #tpu.memory_space<vmem>>) offsets(%dma_start3A_63 : memref<128xi32, #tpu.memory_space<vmem>>) semaphore(%dma_start3A_68 : memref<!tpu.dma_semaphore, #tpu.memory_space<semaphore_mem>>)
    %scan3A_69 = arith.constant 0 : i32
    %scan3A_70 = arith.constant 0 : i32
    %scan3A_71 = arith.constant 50 : i32
    %scan3A_72 = arith.addi %scan3A_70, %scan3A_71 : i32
    %scan3A_73 = arith.constant 1 : i32
    scf.for %scan3A_106 = %scan3A_70 to %scan3A_72 step %scan3A_73  : i32 {
      %mul3A_107 = arith.constant 4 : i32
      %mul3A_108 = arith.muli %scan3A_106, %mul3A_107 : i32
      %add3A_109 = arith.constant 0 : i32
      %add3A_110 = arith.addi %mul3A_108, %add3A_109 : i32
      %dma_wait3A_111 = arith.constant 0 : i32
      %dma_wait3A_112 = arith.constant 0 : i32
      %dma_wait3A_113 = arith.constant 0 : i32
      %dma_wait3A_114 = arith.constant 0 : i32
      %dma_wait3A_115 = tpu.memref_slice %arg6[%dma_wait3A_111, %dma_wait3A_113, %dma_wait3A_114] : memref<4x128x128xi32, #tpu.memory_space<vmem>> -> memref<1x128x128xi32, #tpu.memory_space<vmem>>
      %dma_wait3A_116 = tpu.memref_squeeze %dma_wait3A_115 : memref<1x128x128xi32, #tpu.memory_space<vmem>> -> memref<128x128xi32, #tpu.memory_space<vmem>>
      %dma_wait3A_117 = arith.constant 0 : i32
      %dma_wait3A_118 = arith.constant 0 : i32
      %dma_wait3A_119 = tpu.memref_slice %arg2[%dma_wait3A_117, %dma_wait3A_118] : memref<100000x128xi32, #tpu.memory_space<hbm>> -> memref<128x128xi32, #tpu.memory_space<hbm>>
      %dma_wait3A_120 = tpu.memref_slice %arg8[%dma_wait3A_112] : memref<4x!tpu.dma_semaphore, #tpu.memory_space<semaphore_mem>> -> memref<1x!tpu.dma_semaphore, #tpu.memory_space<semaphore_mem>>
      %dma_wait3A_121 = tpu.memref_squeeze %dma_wait3A_120 : memref<1x!tpu.dma_semaphore, #tpu.memory_space<semaphore_mem>> -> memref<!tpu.dma_semaphore, #tpu.memory_space<semaphore_mem>>
      %dma_wait3A_122 = arith.constant 0 : i32
      %dma_wait3A_123 = arith.constant 0 : i32
      %dma_wait3A_124 = tpu.memref_slice %arg6[%dma_wait3A_111, %dma_wait3A_122, %dma_wait3A_123] : memref<4x128x128xi32, #tpu.memory_space<vmem>> -> memref<1x128x128xi32, #tpu.memory_space<vmem>>
      %dma_wait3A_125 = tpu.memref_squeeze %dma_wait3A_124 : memref<1x128x128xi32, #tpu.memory_space<vmem>> -> memref<128x128xi32, #tpu.memory_space<vmem>>
      %dma_wait3A_126 = arith.constant 0 : i32
      %dma_wait3A_127 = arith.constant 0 : i32
      %dma_wait3A_128 = tpu.memref_slice %arg2[%dma_wait3A_126, %dma_wait3A_127] : memref<100000x128xi32, #tpu.memory_space<hbm>> -> memref<128x128xi32, #tpu.memory_space<hbm>>
      tpu.wait_dma2 semaphore(%dma_wait3A_121 : memref<!tpu.dma_semaphore, #tpu.memory_space<semaphore_mem>>) src(%dma_wait3A_128 : memref<128x128xi32, #tpu.memory_space<hbm>>) dst(%dma_wait3A_125 : memref<128x128xi32, #tpu.memory_space<vmem>>)
      %ge3A = arith.constant 2 : i32
      %ge3A_129 = arith.cmpi sge, %add3A_110, %ge3A : i32
      %convert_element_type3A = arith.extui %ge3A_129 : i1 to i32
      %cond3A = arith.constant 0 : i32
      %cond3A_130 = arith.cmpi ne, %convert_element_type3A, %cond3A : i32
      scf.if %cond3A_130 {
        %dma_wait3A_315 = arith.constant 0 : i32
        %dma_wait3A_316 = arith.constant 0 : i32
        %dma_wait3A_317 = arith.constant 0 : i32
        %dma_wait3A_318 = arith.constant 0 : i32
        %dma_wait3A_319 = tpu.memref_slice %arg7[%dma_wait3A_315, %dma_wait3A_317, %dma_wait3A_318] : memref<2x128x128xbf16, #tpu.memory_space<vmem>> -> memref<1x128x128xbf16, #tpu.memory_space<vmem>>
        %dma_wait3A_320 = tpu.memref_squeeze %dma_wait3A_319 : memref<1x128x128xbf16, #tpu.memory_space<vmem>> -> memref<128x128xbf16, #tpu.memory_space<vmem>>
        %dma_wait3A_321 = arith.constant 0 : i32
        %dma_wait3A_322 = tpu.memref_slice %arg4[%mul3A_2, %dma_wait3A_321] : memref<819200x128xbf16, #tpu.memory_space<hbm>> -> memref<128x128xbf16, #tpu.memory_space<hbm>>
        %dma_wait3A_323 = tpu.memref_slice %arg9[%dma_wait3A_316] : memref<2x!tpu.dma_semaphore, #tpu.memory_space<semaphore_mem>> -> memref<1x!tpu.dma_semaphore, #tpu.memory_space<semaphore_mem>>
        %dma_wait3A_324 = tpu.memref_squeeze %dma_wait3A_323 : memref<1x!tpu.dma_semaphore, #tpu.memory_space<semaphore_mem>> -> memref<!tpu.dma_semaphore, #tpu.memory_space<semaphore_mem>>
        %dma_wait3A_325 = arith.constant 0 : i32
        %dma_wait3A_326 = tpu.memref_slice %arg4[%mul3A_2, %dma_wait3A_325] : memref<819200x128xbf16, #tpu.memory_space<hbm>> -> memref<128x128xbf16, #tpu.memory_space<hbm>>
        %dma_wait3A_327 = arith.constant 0 : i32
        %dma_wait3A_328 = arith.constant 0 : i32
        %dma_wait3A_329 = tpu.memref_slice %arg7[%dma_wait3A_315, %dma_wait3A_327, %dma_wait3A_328] : memref<2x128x128xbf16, #tpu.memory_space<vmem>> -> memref<1x128x128xbf16, #tpu.memory_space<vmem>>
        %dma_wait3A_330 = tpu.memref_squeeze %dma_wait3A_329 : memref<1x128x128xbf16, #tpu.memory_space<vmem>> -> memref<128x128xbf16, #tpu.memory_space<vmem>>
        tpu.wait_dma2 semaphore(%dma_wait3A_324 : memref<!tpu.dma_semaphore, #tpu.memory_space<semaphore_mem>>) src(%dma_wait3A_330 : memref<128x128xbf16, #tpu.memory_space<vmem>>) dst(%dma_wait3A_326 : memref<128x128xbf16, #tpu.memory_space<hbm>>)
      } else {
      }
      %mul3A_131 = arith.constant 128 : i32
      %mul3A_132 = arith.muli %add3A_110, %mul3A_131 : i32
      %add3A_133 = arith.addi %mul3A_2, %mul3A_132 : i32
      %dma_start3A_134 = arith.constant 0 : i32
      %dma_start3A_135 = arith.constant 0 : i32
      %dma_start3A_136 = arith.constant 0 : i32
      %dma_start3A_137 = arith.constant 0 : i32
      %dma_start3A_138 = tpu.memref_slice %arg7[%dma_start3A_134, %dma_start3A_136, %dma_start3A_137] : memref<2x128x128xbf16, #tpu.memory_space<vmem>> -> memref<1x128x128xbf16, #tpu.memory_space<vmem>>
      %dma_start3A_139 = tpu.memref_squeeze %dma_start3A_138 : memref<1x128x128xbf16, #tpu.memory_space<vmem>> -> memref<128x128xbf16, #tpu.memory_space<vmem>>
      %dma_start3A_140 = arith.constant 0 : i32
      %dma_start3A_141 = tpu.memref_slice %arg4[%add3A_133, %dma_start3A_140] : memref<819200x128xbf16, #tpu.memory_space<hbm>> -> memref<128x128xbf16, #tpu.memory_space<hbm>>
      %dma_start3A_142 = tpu.memref_slice %arg9[%dma_start3A_135] : memref<2x!tpu.dma_semaphore, #tpu.memory_space<semaphore_mem>> -> memref<1x!tpu.dma_semaphore, #tpu.memory_space<semaphore_mem>>
      %dma_start3A_143 = tpu.memref_squeeze %dma_start3A_142 : memref<1x!tpu.dma_semaphore, #tpu.memory_space<semaphore_mem>> -> memref<!tpu.dma_semaphore, #tpu.memory_space<semaphore_mem>>
      %dma_start3A_144 = arith.constant 0 : i32
      %dma_start3A_145 = tpu.memref_slice %arg4[%add3A_133, %dma_start3A_144] : memref<819200x128xbf16, #tpu.memory_space<hbm>> -> memref<128x128xbf16, #tpu.memory_space<hbm>>
      %dma_start3A_146 = arith.constant 0 : i32
      %dma_start3A_147 = arith.constant 0 : i32
      %dma_start3A_148 = tpu.memref_slice %arg7[%dma_start3A_134, %dma_start3A_146, %dma_start3A_147] : memref<2x128x128xbf16, #tpu.memory_space<vmem>> -> memref<1x128x128xbf16, #tpu.memory_space<vmem>>
      %dma_start3A_149 = tpu.memref_squeeze %dma_start3A_148 : memref<1x128x128xbf16, #tpu.memory_space<vmem>> -> memref<128x128xbf16, #tpu.memory_space<vmem>>
      tpu.enqueue_dma source(%dma_start3A_149 : memref<128x128xbf16, #tpu.memory_space<vmem>>) target(%dma_start3A_145 : memref<128x128xbf16, #tpu.memory_space<hbm>>) target_semaphore(%dma_start3A_143 : memref<!tpu.dma_semaphore, #tpu.memory_space<semaphore_mem>>)
      %add3A_150 = arith.constant 4 : i32
      %add3A_151 = arith.addi %add3A_110, %add3A_150 : i32
      %lt3A = arith.constant 200 : i32
      %lt3A_152 = arith.cmpi slt, %add3A_151, %lt3A : i32
      %convert_element_type3A_153 = arith.extui %lt3A_152 : i1 to i32
      %cond3A_154 = arith.constant 0 : i32
      %cond3A_155 = arith.cmpi ne, %convert_element_type3A_153, %cond3A_154 : i32
      scf.if %cond3A_155 {
        %add3A_315 = arith.constant 4 : i32
        %add3A_316 = arith.addi %add3A_110, %add3A_315 : i32
        %dma_start3A_317 = arith.constant 0 : i32
        %dma_start3A_318 = arith.constant 0 : i32
        %dma_start3A_319 = arith.constant 0 : i32
        %dma_start3A_320 = arith.constant 0 : i32
        %dma_start3A_321 = tpu.memref_slice %arg6[%dma_start3A_317, %dma_start3A_319, %dma_start3A_320] : memref<4x128x128xi32, #tpu.memory_space<vmem>> -> memref<1x128x128xi32, #tpu.memory_space<vmem>>
        %dma_start3A_322 = tpu.memref_squeeze %dma_start3A_321 : memref<1x128x128xi32, #tpu.memory_space<vmem>> -> memref<128x128xi32, #tpu.memory_space<vmem>>
        %dma_start3A_323 = arith.constant 0 : i32
        %dma_start3A_324 = tpu.memref_slice %arg5[%add3A_316, %dma_start3A_323] : memref<200x128xi32, #tpu.memory_space<vmem>> -> memref<1x128xi32, #tpu.memory_space<vmem>>
        %dma_start3A_325 = tpu.memref_squeeze %dma_start3A_324 : memref<1x128xi32, #tpu.memory_space<vmem>> -> memref<128xi32, #tpu.memory_space<vmem>>
        %dma_start3A_326 = arith.constant 0 : i32
        %dma_start3A_327 = arith.constant 0 : i32
        %dma_start3A_328 = tpu.memref_slice %arg2[%dma_start3A_326, %dma_start3A_327] : memref<100000x128xi32, #tpu.memory_space<hbm>> -> memref<100000x128xi32, #tpu.memory_space<hbm>>
        %dma_start3A_329 = tpu.memref_slice %arg8[%dma_start3A_318] : memref<4x!tpu.dma_semaphore, #tpu.memory_space<semaphore_mem>> -> memref<1x!tpu.dma_semaphore, #tpu.memory_space<semaphore_mem>>
        %dma_start3A_330 = tpu.memref_squeeze %dma_start3A_329 : memref<1x!tpu.dma_semaphore, #tpu.memory_space<semaphore_mem>> -> memref<!tpu.dma_semaphore, #tpu.memory_space<semaphore_mem>>
        tpu.enqueue_indirect_dma source(%dma_start3A_328 : memref<100000x128xi32, #tpu.memory_space<hbm>>) target(%dma_start3A_322 : memref<128x128xi32, #tpu.memory_space<vmem>>) offsets(%dma_start3A_325 : memref<128xi32, #tpu.memory_space<vmem>>) semaphore(%dma_start3A_330 : memref<!tpu.dma_semaphore, #tpu.memory_space<semaphore_mem>>)
      } else {
      }
      %mul3A_156 = arith.constant 4 : i32
      %mul3A_157 = arith.muli %scan3A_106, %mul3A_156 : i32
      %add3A_158 = arith.constant 1 : i32
      %add3A_159 = arith.addi %mul3A_157, %add3A_158 : i32
      %dma_wait3A_160 = arith.constant 1 : i32
      %dma_wait3A_161 = arith.constant 1 : i32
      %dma_wait3A_162 = arith.constant 0 : i32
      %dma_wait3A_163 = arith.constant 0 : i32
      %dma_wait3A_164 = tpu.memref_slice %arg6[%dma_wait3A_160, %dma_wait3A_162, %dma_wait3A_163] : memref<4x128x128xi32, #tpu.memory_space<vmem>> -> memref<1x128x128xi32, #tpu.memory_space<vmem>>
      %dma_wait3A_165 = tpu.memref_squeeze %dma_wait3A_164 : memref<1x128x128xi32, #tpu.memory_space<vmem>> -> memref<128x128xi32, #tpu.memory_space<vmem>>
      %dma_wait3A_166 = arith.constant 0 : i32
      %dma_wait3A_167 = arith.constant 0 : i32
      %dma_wait3A_168 = tpu.memref_slice %arg2[%dma_wait3A_166, %dma_wait3A_167] : memref<100000x128xi32, #tpu.memory_space<hbm>> -> memref<128x128xi32, #tpu.memory_space<hbm>>
      %dma_wait3A_169 = tpu.memref_slice %arg8[%dma_wait3A_161] : memref<4x!tpu.dma_semaphore, #tpu.memory_space<semaphore_mem>> -> memref<1x!tpu.dma_semaphore, #tpu.memory_space<semaphore_mem>>
      %dma_wait3A_170 = tpu.memref_squeeze %dma_wait3A_169 : memref<1x!tpu.dma_semaphore, #tpu.memory_space<semaphore_mem>> -> memref<!tpu.dma_semaphore, #tpu.memory_space<semaphore_mem>>
      %dma_wait3A_171 = arith.constant 0 : i32
      %dma_wait3A_172 = arith.constant 0 : i32
      %dma_wait3A_173 = tpu.memref_slice %arg6[%dma_wait3A_160, %dma_wait3A_171, %dma_wait3A_172] : memref<4x128x128xi32, #tpu.memory_space<vmem>> -> memref<1x128x128xi32, #tpu.memory_space<vmem>>
      %dma_wait3A_174 = tpu.memref_squeeze %dma_wait3A_173 : memref<1x128x128xi32, #tpu.memory_space<vmem>> -> memref<128x128xi32, #tpu.memory_space<vmem>>
      %dma_wait3A_175 = arith.constant 0 : i32
      %dma_wait3A_176 = arith.constant 0 : i32
      %dma_wait3A_177 = tpu.memref_slice %arg2[%dma_wait3A_175, %dma_wait3A_176] : memref<100000x128xi32, #tpu.memory_space<hbm>> -> memref<128x128xi32, #tpu.memory_space<hbm>>
      tpu.wait_dma2 semaphore(%dma_wait3A_170 : memref<!tpu.dma_semaphore, #tpu.memory_space<semaphore_mem>>) src(%dma_wait3A_177 : memref<128x128xi32, #tpu.memory_space<hbm>>) dst(%dma_wait3A_174 : memref<128x128xi32, #tpu.memory_space<vmem>>)
      %ge3A_178 = arith.constant 2 : i32
      %ge3A_179 = arith.cmpi sge, %add3A_159, %ge3A_178 : i32
      %convert_element_type3A_180 = arith.extui %ge3A_179 : i1 to i32
      %cond3A_181 = arith.constant 0 : i32
      %cond3A_182 = arith.cmpi ne, %convert_element_type3A_180, %cond3A_181 : i32
      scf.if %cond3A_182 {
        %dma_wait3A_315 = arith.constant 1 : i32
        %dma_wait3A_316 = arith.constant 1 : i32
        %dma_wait3A_317 = arith.constant 0 : i32
        %dma_wait3A_318 = arith.constant 0 : i32
        %dma_wait3A_319 = tpu.memref_slice %arg7[%dma_wait3A_315, %dma_wait3A_317, %dma_wait3A_318] : memref<2x128x128xbf16, #tpu.memory_space<vmem>> -> memref<1x128x128xbf16, #tpu.memory_space<vmem>>
        %dma_wait3A_320 = tpu.memref_squeeze %dma_wait3A_319 : memref<1x128x128xbf16, #tpu.memory_space<vmem>> -> memref<128x128xbf16, #tpu.memory_space<vmem>>
        %dma_wait3A_321 = arith.constant 0 : i32
        %dma_wait3A_322 = tpu.memref_slice %arg4[%mul3A_2, %dma_wait3A_321] : memref<819200x128xbf16, #tpu.memory_space<hbm>> -> memref<128x128xbf16, #tpu.memory_space<hbm>>
        %dma_wait3A_323 = tpu.memref_slice %arg9[%dma_wait3A_316] : memref<2x!tpu.dma_semaphore, #tpu.memory_space<semaphore_mem>> -> memref<1x!tpu.dma_semaphore, #tpu.memory_space<semaphore_mem>>
        %dma_wait3A_324 = tpu.memref_squeeze %dma_wait3A_323 : memref<1x!tpu.dma_semaphore, #tpu.memory_space<semaphore_mem>> -> memref<!tpu.dma_semaphore, #tpu.memory_space<semaphore_mem>>
        %dma_wait3A_325 = arith.constant 0 : i32
        %dma_wait3A_326 = tpu.memref_slice %arg4[%mul3A_2, %dma_wait3A_325] : memref<819200x128xbf16, #tpu.memory_space<hbm>> -> memref<128x128xbf16, #tpu.memory_space<hbm>>
        %dma_wait3A_327 = arith.constant 0 : i32
        %dma_wait3A_328 = arith.constant 0 : i32
        %dma_wait3A_329 = tpu.memref_slice %arg7[%dma_wait3A_315, %dma_wait3A_327, %dma_wait3A_328] : memref<2x128x128xbf16, #tpu.memory_space<vmem>> -> memref<1x128x128xbf16, #tpu.memory_space<vmem>>
        %dma_wait3A_330 = tpu.memref_squeeze %dma_wait3A_329 : memref<1x128x128xbf16, #tpu.memory_space<vmem>> -> memref<128x128xbf16, #tpu.memory_space<vmem>>
        tpu.wait_dma2 semaphore(%dma_wait3A_324 : memref<!tpu.dma_semaphore, #tpu.memory_space<semaphore_mem>>) src(%dma_wait3A_330 : memref<128x128xbf16, #tpu.memory_space<vmem>>) dst(%dma_wait3A_326 : memref<128x128xbf16, #tpu.memory_space<hbm>>)
      } else {
      }
      %mul3A_183 = arith.constant 128 : i32
      %mul3A_184 = arith.muli %add3A_159, %mul3A_183 : i32
      %add3A_185 = arith.addi %mul3A_2, %mul3A_184 : i32
      %dma_start3A_186 = arith.constant 1 : i32
      %dma_start3A_187 = arith.constant 1 : i32
      %dma_start3A_188 = arith.constant 0 : i32
      %dma_start3A_189 = arith.constant 0 : i32
      %dma_start3A_190 = tpu.memref_slice %arg7[%dma_start3A_186, %dma_start3A_188, %dma_start3A_189] : memref<2x128x128xbf16, #tpu.memory_space<vmem>> -> memref<1x128x128xbf16, #tpu.memory_space<vmem>>
      %dma_start3A_191 = tpu.memref_squeeze %dma_start3A_190 : memref<1x128x128xbf16, #tpu.memory_space<vmem>> -> memref<128x128xbf16, #tpu.memory_space<vmem>>
      %dma_start3A_192 = arith.constant 0 : i32
      %dma_start3A_193 = tpu.memref_slice %arg4[%add3A_185, %dma_start3A_192] : memref<819200x128xbf16, #tpu.memory_space<hbm>> -> memref<128x128xbf16, #tpu.memory_space<hbm>>
      %dma_start3A_194 = tpu.memref_slice %arg9[%dma_start3A_187] : memref<2x!tpu.dma_semaphore, #tpu.memory_space<semaphore_mem>> -> memref<1x!tpu.dma_semaphore, #tpu.memory_space<semaphore_mem>>
      %dma_start3A_195 = tpu.memref_squeeze %dma_start3A_194 : memref<1x!tpu.dma_semaphore, #tpu.memory_space<semaphore_mem>> -> memref<!tpu.dma_semaphore, #tpu.memory_space<semaphore_mem>>
      %dma_start3A_196 = arith.constant 0 : i32
      %dma_start3A_197 = tpu.memref_slice %arg4[%add3A_185, %dma_start3A_196] : memref<819200x128xbf16, #tpu.memory_space<hbm>> -> memref<128x128xbf16, #tpu.memory_space<hbm>>
      %dma_start3A_198 = arith.constant 0 : i32
      %dma_start3A_199 = arith.constant 0 : i32
      %dma_start3A_200 = tpu.memref_slice %arg7[%dma_start3A_186, %dma_start3A_198, %dma_start3A_199] : memref<2x128x128xbf16, #tpu.memory_space<vmem>> -> memref<1x128x128xbf16, #tpu.memory_space<vmem>>
      %dma_start3A_201 = tpu.memref_squeeze %dma_start3A_200 : memref<1x128x128xbf16, #tpu.memory_space<vmem>> -> memref<128x128xbf16, #tpu.memory_space<vmem>>
      tpu.enqueue_dma source(%dma_start3A_201 : memref<128x128xbf16, #tpu.memory_space<vmem>>) target(%dma_start3A_197 : memref<128x128xbf16, #tpu.memory_space<hbm>>) target_semaphore(%dma_start3A_195 : memref<!tpu.dma_semaphore, #tpu.memory_space<semaphore_mem>>)
      %add3A_202 = arith.constant 4 : i32
      %add3A_203 = arith.addi %add3A_159, %add3A_202 : i32
      %lt3A_204 = arith.constant 200 : i32
      %lt3A_205 = arith.cmpi slt, %add3A_203, %lt3A_204 : i32
      %convert_element_type3A_206 = arith.extui %lt3A_205 : i1 to i32
      %cond3A_207 = arith.constant 0 : i32
      %cond3A_208 = arith.cmpi ne, %convert_element_type3A_206, %cond3A_207 : i32
      scf.if %cond3A_208 {
        %add3A_315 = arith.constant 4 : i32
        %add3A_316 = arith.addi %add3A_159, %add3A_315 : i32
        %dma_start3A_317 = arith.constant 1 : i32
        %dma_start3A_318 = arith.constant 1 : i32
        %dma_start3A_319 = arith.constant 0 : i32
        %dma_start3A_320 = arith.constant 0 : i32
        %dma_start3A_321 = tpu.memref_slice %arg6[%dma_start3A_317, %dma_start3A_319, %dma_start3A_320] : memref<4x128x128xi32, #tpu.memory_space<vmem>> -> memref<1x128x128xi32, #tpu.memory_space<vmem>>
        %dma_start3A_322 = tpu.memref_squeeze %dma_start3A_321 : memref<1x128x128xi32, #tpu.memory_space<vmem>> -> memref<128x128xi32, #tpu.memory_space<vmem>>
        %dma_start3A_323 = arith.constant 0 : i32
        %dma_start3A_324 = tpu.memref_slice %arg5[%add3A_316, %dma_start3A_323] : memref<200x128xi32, #tpu.memory_space<vmem>> -> memref<1x128xi32, #tpu.memory_space<vmem>>
        %dma_start3A_325 = tpu.memref_squeeze %dma_start3A_324 : memref<1x128xi32, #tpu.memory_space<vmem>> -> memref<128xi32, #tpu.memory_space<vmem>>
        %dma_start3A_326 = arith.constant 0 : i32
        %dma_start3A_327 = arith.constant 0 : i32
        %dma_start3A_328 = tpu.memref_slice %arg2[%dma_start3A_326, %dma_start3A_327] : memref<100000x128xi32, #tpu.memory_space<hbm>> -> memref<100000x128xi32, #tpu.memory_space<hbm>>
        %dma_start3A_329 = tpu.memref_slice %arg8[%dma_start3A_318] : memref<4x!tpu.dma_semaphore, #tpu.memory_space<semaphore_mem>> -> memref<1x!tpu.dma_semaphore, #tpu.memory_space<semaphore_mem>>
        %dma_start3A_330 = tpu.memref_squeeze %dma_start3A_329 : memref<1x!tpu.dma_semaphore, #tpu.memory_space<semaphore_mem>> -> memref<!tpu.dma_semaphore, #tpu.memory_space<semaphore_mem>>
        tpu.enqueue_indirect_dma source(%dma_start3A_328 : memref<100000x128xi32, #tpu.memory_space<hbm>>) target(%dma_start3A_322 : memref<128x128xi32, #tpu.memory_space<vmem>>) offsets(%dma_start3A_325 : memref<128xi32, #tpu.memory_space<vmem>>) semaphore(%dma_start3A_330 : memref<!tpu.dma_semaphore, #tpu.memory_space<semaphore_mem>>)
      } else {
      }
      %mul3A_209 = arith.constant 4 : i32
      %mul3A_210 = arith.muli %scan3A_106, %mul3A_209 : i32
      %add3A_211 = arith.constant 2 : i32
      %add3A_212 = arith.addi %mul3A_210, %add3A_211 : i32
      %dma_wait3A_213 = arith.constant 2 : i32
      %dma_wait3A_214 = arith.constant 2 : i32
      %dma_wait3A_215 = arith.constant 0 : i32
      %dma_wait3A_216 = arith.constant 0 : i32
      %dma_wait3A_217 = tpu.memref_slice %arg6[%dma_wait3A_213, %dma_wait3A_215, %dma_wait3A_216] : memref<4x128x128xi32, #tpu.memory_space<vmem>> -> memref<1x128x128xi32, #tpu.memory_space<vmem>>
      %dma_wait3A_218 = tpu.memref_squeeze %dma_wait3A_217 : memref<1x128x128xi32, #tpu.memory_space<vmem>> -> memref<128x128xi32, #tpu.memory_space<vmem>>
      %dma_wait3A_219 = arith.constant 0 : i32
      %dma_wait3A_220 = arith.constant 0 : i32
      %dma_wait3A_221 = tpu.memref_slice %arg2[%dma_wait3A_219, %dma_wait3A_220] : memref<100000x128xi32, #tpu.memory_space<hbm>> -> memref<128x128xi32, #tpu.memory_space<hbm>>
      %dma_wait3A_222 = tpu.memref_slice %arg8[%dma_wait3A_214] : memref<4x!tpu.dma_semaphore, #tpu.memory_space<semaphore_mem>> -> memref<1x!tpu.dma_semaphore, #tpu.memory_space<semaphore_mem>>
      %dma_wait3A_223 = tpu.memref_squeeze %dma_wait3A_222 : memref<1x!tpu.dma_semaphore, #tpu.memory_space<semaphore_mem>> -> memref<!tpu.dma_semaphore, #tpu.memory_space<semaphore_mem>>
      %dma_wait3A_224 = arith.constant 0 : i32
      %dma_wait3A_225 = arith.constant 0 : i32
      %dma_wait3A_226 = tpu.memref_slice %arg6[%dma_wait3A_213, %dma_wait3A_224, %dma_wait3A_225] : memref<4x128x128xi32, #tpu.memory_space<vmem>> -> memref<1x128x128xi32, #tpu.memory_space<vmem>>
      %dma_wait3A_227 = tpu.memref_squeeze %dma_wait3A_226 : memref<1x128x128xi32, #tpu.memory_space<vmem>> -> memref<128x128xi32, #tpu.memory_space<vmem>>
      %dma_wait3A_228 = arith.constant 0 : i32
      %dma_wait3A_229 = arith.constant 0 : i32
      %dma_wait3A_230 = tpu.memref_slice %arg2[%dma_wait3A_228, %dma_wait3A_229] : memref<100000x128xi32, #tpu.memory_space<hbm>> -> memref<128x128xi32, #tpu.memory_space<hbm>>
      tpu.wait_dma2 semaphore(%dma_wait3A_223 : memref<!tpu.dma_semaphore, #tpu.memory_space<semaphore_mem>>) src(%dma_wait3A_230 : memref<128x128xi32, #tpu.memory_space<hbm>>) dst(%dma_wait3A_227 : memref<128x128xi32, #tpu.memory_space<vmem>>)
      %ge3A_231 = arith.constant 2 : i32
      %ge3A_232 = arith.cmpi sge, %add3A_212, %ge3A_231 : i32
      %convert_element_type3A_233 = arith.extui %ge3A_232 : i1 to i32
      %cond3A_234 = arith.constant 0 : i32
      %cond3A_235 = arith.cmpi ne, %convert_element_type3A_233, %cond3A_234 : i32
      scf.if %cond3A_235 {
        %dma_wait3A_315 = arith.constant 0 : i32
        %dma_wait3A_316 = arith.constant 0 : i32
        %dma_wait3A_317 = arith.constant 0 : i32
        %dma_wait3A_318 = arith.constant 0 : i32
        %dma_wait3A_319 = tpu.memref_slice %arg7[%dma_wait3A_315, %dma_wait3A_317, %dma_wait3A_318] : memref<2x128x128xbf16, #tpu.memory_space<vmem>> -> memref<1x128x128xbf16, #tpu.memory_space<vmem>>
        %dma_wait3A_320 = tpu.memref_squeeze %dma_wait3A_319 : memref<1x128x128xbf16, #tpu.memory_space<vmem>> -> memref<128x128xbf16, #tpu.memory_space<vmem>>
        %dma_wait3A_321 = arith.constant 0 : i32
        %dma_wait3A_322 = tpu.memref_slice %arg4[%mul3A_2, %dma_wait3A_321] : memref<819200x128xbf16, #tpu.memory_space<hbm>> -> memref<128x128xbf16, #tpu.memory_space<hbm>>
        %dma_wait3A_323 = tpu.memref_slice %arg9[%dma_wait3A_316] : memref<2x!tpu.dma_semaphore, #tpu.memory_space<semaphore_mem>> -> memref<1x!tpu.dma_semaphore, #tpu.memory_space<semaphore_mem>>
        %dma_wait3A_324 = tpu.memref_squeeze %dma_wait3A_323 : memref<1x!tpu.dma_semaphore, #tpu.memory_space<semaphore_mem>> -> memref<!tpu.dma_semaphore, #tpu.memory_space<semaphore_mem>>
        %dma_wait3A_325 = arith.constant 0 : i32
        %dma_wait3A_326 = tpu.memref_slice %arg4[%mul3A_2, %dma_wait3A_325] : memref<819200x128xbf16, #tpu.memory_space<hbm>> -> memref<128x128xbf16, #tpu.memory_space<hbm>>
        %dma_wait3A_327 = arith.constant 0 : i32
        %dma_wait3A_328 = arith.constant 0 : i32
        %dma_wait3A_329 = tpu.memref_slice %arg7[%dma_wait3A_315, %dma_wait3A_327, %dma_wait3A_328] : memref<2x128x128xbf16, #tpu.memory_space<vmem>> -> memref<1x128x128xbf16, #tpu.memory_space<vmem>>
        %dma_wait3A_330 = tpu.memref_squeeze %dma_wait3A_329 : memref<1x128x128xbf16, #tpu.memory_space<vmem>> -> memref<128x128xbf16, #tpu.memory_space<vmem>>
        tpu.wait_dma2 semaphore(%dma_wait3A_324 : memref<!tpu.dma_semaphore, #tpu.memory_space<semaphore_mem>>) src(%dma_wait3A_330 : memref<128x128xbf16, #tpu.memory_space<vmem>>) dst(%dma_wait3A_326 : memref<128x128xbf16, #tpu.memory_space<hbm>>)
      } else {
      }
      %mul3A_236 = arith.constant 128 : i32
      %mul3A_237 = arith.muli %add3A_212, %mul3A_236 : i32
      %add3A_238 = arith.addi %mul3A_2, %mul3A_237 : i32
      %dma_start3A_239 = arith.constant 0 : i32
      %dma_start3A_240 = arith.constant 0 : i32
      %dma_start3A_241 = arith.constant 0 : i32
      %dma_start3A_242 = arith.constant 0 : i32
      %dma_start3A_243 = tpu.memref_slice %arg7[%dma_start3A_239, %dma_start3A_241, %dma_start3A_242] : memref<2x128x128xbf16, #tpu.memory_space<vmem>> -> memref<1x128x128xbf16, #tpu.memory_space<vmem>>
      %dma_start3A_244 = tpu.memref_squeeze %dma_start3A_243 : memref<1x128x128xbf16, #tpu.memory_space<vmem>> -> memref<128x128xbf16, #tpu.memory_space<vmem>>
      %dma_start3A_245 = arith.constant 0 : i32
      %dma_start3A_246 = tpu.memref_slice %arg4[%add3A_238, %dma_start3A_245] : memref<819200x128xbf16, #tpu.memory_space<hbm>> -> memref<128x128xbf16, #tpu.memory_space<hbm>>
      %dma_start3A_247 = tpu.memref_slice %arg9[%dma_start3A_240] : memref<2x!tpu.dma_semaphore, #tpu.memory_space<semaphore_mem>> -> memref<1x!tpu.dma_semaphore, #tpu.memory_space<semaphore_mem>>
      %dma_start3A_248 = tpu.memref_squeeze %dma_start3A_247 : memref<1x!tpu.dma_semaphore, #tpu.memory_space<semaphore_mem>> -> memref<!tpu.dma_semaphore, #tpu.memory_space<semaphore_mem>>
      %dma_start3A_249 = arith.constant 0 : i32
      %dma_start3A_250 = tpu.memref_slice %arg4[%add3A_238, %dma_start3A_249] : memref<819200x128xbf16, #tpu.memory_space<hbm>> -> memref<128x128xbf16, #tpu.memory_space<hbm>>
      %dma_start3A_251 = arith.constant 0 : i32
      %dma_start3A_252 = arith.constant 0 : i32
      %dma_start3A_253 = tpu.memref_slice %arg7[%dma_start3A_239, %dma_start3A_251, %dma_start3A_252] : memref<2x128x128xbf16, #tpu.memory_space<vmem>> -> memref<1x128x128xbf16, #tpu.memory_space<vmem>>
      %dma_start3A_254 = tpu.memref_squeeze %dma_start3A_253 : memref<1x128x128xbf16, #tpu.memory_space<vmem>> -> memref<128x128xbf16, #tpu.memory_space<vmem>>
      tpu.enqueue_dma source(%dma_start3A_254 : memref<128x128xbf16, #tpu.memory_space<vmem>>) target(%dma_start3A_250 : memref<128x128xbf16, #tpu.memory_space<hbm>>) target_semaphore(%dma_start3A_248 : memref<!tpu.dma_semaphore, #tpu.memory_space<semaphore_mem>>)
      %add3A_255 = arith.constant 4 : i32
      %add3A_256 = arith.addi %add3A_212, %add3A_255 : i32
      %lt3A_257 = arith.constant 200 : i32
      %lt3A_258 = arith.cmpi slt, %add3A_256, %lt3A_257 : i32
      %convert_element_type3A_259 = arith.extui %lt3A_258 : i1 to i32
      %cond3A_260 = arith.constant 0 : i32
      %cond3A_261 = arith.cmpi ne, %convert_element_type3A_259, %cond3A_260 : i32
      scf.if %cond3A_261 {
        %add3A_315 = arith.constant 4 : i32
        %add3A_316 = arith.addi %add3A_212, %add3A_315 : i32
        %dma_start3A_317 = arith.constant 2 : i32
        %dma_start3A_318 = arith.constant 2 : i32
        %dma_start3A_319 = arith.constant 0 : i32
        %dma_start3A_320 = arith.constant 0 : i32
        %dma_start3A_321 = tpu.memref_slice %arg6[%dma_start3A_317, %dma_start3A_319, %dma_start3A_320] : memref<4x128x128xi32, #tpu.memory_space<vmem>> -> memref<1x128x128xi32, #tpu.memory_space<vmem>>
        %dma_start3A_322 = tpu.memref_squeeze %dma_start3A_321 : memref<1x128x128xi32, #tpu.memory_space<vmem>> -> memref<128x128xi32, #tpu.memory_space<vmem>>
        %dma_start3A_323 = arith.constant 0 : i32
        %dma_start3A_324 = tpu.memref_slice %arg5[%add3A_316, %dma_start3A_323] : memref<200x128xi32, #tpu.memory_space<vmem>> -> memref<1x128xi32, #tpu.memory_space<vmem>>
        %dma_start3A_325 = tpu.memref_squeeze %dma_start3A_324 : memref<1x128xi32, #tpu.memory_space<vmem>> -> memref<128xi32, #tpu.memory_space<vmem>>
        %dma_start3A_326 = arith.constant 0 : i32
        %dma_start3A_327 = arith.constant 0 : i32
        %dma_start3A_328 = tpu.memref_slice %arg2[%dma_start3A_326, %dma_start3A_327] : memref<100000x128xi32, #tpu.memory_space<hbm>> -> memref<100000x128xi32, #tpu.memory_space<hbm>>
        %dma_start3A_329 = tpu.memref_slice %arg8[%dma_start3A_318] : memref<4x!tpu.dma_semaphore, #tpu.memory_space<semaphore_mem>> -> memref<1x!tpu.dma_semaphore, #tpu.memory_space<semaphore_mem>>
        %dma_start3A_330 = tpu.memref_squeeze %dma_start3A_329 : memref<1x!tpu.dma_semaphore, #tpu.memory_space<semaphore_mem>> -> memref<!tpu.dma_semaphore, #tpu.memory_space<semaphore_mem>>
        tpu.enqueue_indirect_dma source(%dma_start3A_328 : memref<100000x128xi32, #tpu.memory_space<hbm>>) target(%dma_start3A_322 : memref<128x128xi32, #tpu.memory_space<vmem>>) offsets(%dma_start3A_325 : memref<128xi32, #tpu.memory_space<vmem>>) semaphore(%dma_start3A_330 : memref<!tpu.dma_semaphore, #tpu.memory_space<semaphore_mem>>)
      } else {
      }
      %mul3A_262 = arith.constant 4 : i32
      %mul3A_263 = arith.muli %scan3A_106, %mul3A_262 : i32
      %add3A_264 = arith.constant 3 : i32
      %add3A_265 = arith.addi %mul3A_263, %add3A_264 : i32
      %dma_wait3A_266 = arith.constant 3 : i32
      %dma_wait3A_267 = arith.constant 3 : i32
      %dma_wait3A_268 = arith.constant 0 : i32
      %dma_wait3A_269 = arith.constant 0 : i32
      %dma_wait3A_270 = tpu.memref_slice %arg6[%dma_wait3A_266, %dma_wait3A_268, %dma_wait3A_269] : memref<4x128x128xi32, #tpu.memory_space<vmem>> -> memref<1x128x128xi32, #tpu.memory_space<vmem>>
      %dma_wait3A_271 = tpu.memref_squeeze %dma_wait3A_270 : memref<1x128x128xi32, #tpu.memory_space<vmem>> -> memref<128x128xi32, #tpu.memory_space<vmem>>
      %dma_wait3A_272 = arith.constant 0 : i32
      %dma_wait3A_273 = arith.constant 0 : i32
      %dma_wait3A_274 = tpu.memref_slice %arg2[%dma_wait3A_272, %dma_wait3A_273] : memref<100000x128xi32, #tpu.memory_space<hbm>> -> memref<128x128xi32, #tpu.memory_space<hbm>>
      %dma_wait3A_275 = tpu.memref_slice %arg8[%dma_wait3A_267] : memref<4x!tpu.dma_semaphore, #tpu.memory_space<semaphore_mem>> -> memref<1x!tpu.dma_semaphore, #tpu.memory_space<semaphore_mem>>
      %dma_wait3A_276 = tpu.memref_squeeze %dma_wait3A_275 : memref<1x!tpu.dma_semaphore, #tpu.memory_space<semaphore_mem>> -> memref<!tpu.dma_semaphore, #tpu.memory_space<semaphore_mem>>
      %dma_wait3A_277 = arith.constant 0 : i32
      %dma_wait3A_278 = arith.constant 0 : i32
      %dma_wait3A_279 = tpu.memref_slice %arg6[%dma_wait3A_266, %dma_wait3A_277, %dma_wait3A_278] : memref<4x128x128xi32, #tpu.memory_space<vmem>> -> memref<1x128x128xi32, #tpu.memory_space<vmem>>
      %dma_wait3A_280 = tpu.memref_squeeze %dma_wait3A_279 : memref<1x128x128xi32, #tpu.memory_space<vmem>> -> memref<128x128xi32, #tpu.memory_space<vmem>>
      %dma_wait3A_281 = arith.constant 0 : i32
      %dma_wait3A_282 = arith.constant 0 : i32
      %dma_wait3A_283 = tpu.memref_slice %arg2[%dma_wait3A_281, %dma_wait3A_282] : memref<100000x128xi32, #tpu.memory_space<hbm>> -> memref<128x128xi32, #tpu.memory_space<hbm>>
      tpu.wait_dma2 semaphore(%dma_wait3A_276 : memref<!tpu.dma_semaphore, #tpu.memory_space<semaphore_mem>>) src(%dma_wait3A_283 : memref<128x128xi32, #tpu.memory_space<hbm>>) dst(%dma_wait3A_280 : memref<128x128xi32, #tpu.memory_space<vmem>>)
      %ge3A_284 = arith.constant 2 : i32
      %ge3A_285 = arith.cmpi sge, %add3A_265, %ge3A_284 : i32
      %convert_element_type3A_286 = arith.extui %ge3A_285 : i1 to i32
      %cond3A_287 = arith.constant 0 : i32
      %cond3A_288 = arith.cmpi ne, %convert_element_type3A_286, %cond3A_287 : i32
      scf.if %cond3A_288 {
        %dma_wait3A_315 = arith.constant 1 : i32
        %dma_wait3A_316 = arith.constant 1 : i32
        %dma_wait3A_317 = arith.constant 0 : i32
        %dma_wait3A_318 = arith.constant 0 : i32
        %dma_wait3A_319 = tpu.memref_slice %arg7[%dma_wait3A_315, %dma_wait3A_317, %dma_wait3A_318] : memref<2x128x128xbf16, #tpu.memory_space<vmem>> -> memref<1x128x128xbf16, #tpu.memory_space<vmem>>
        %dma_wait3A_320 = tpu.memref_squeeze %dma_wait3A_319 : memref<1x128x128xbf16, #tpu.memory_space<vmem>> -> memref<128x128xbf16, #tpu.memory_space<vmem>>
        %dma_wait3A_321 = arith.constant 0 : i32
        %dma_wait3A_322 = tpu.memref_slice %arg4[%mul3A_2, %dma_wait3A_321] : memref<819200x128xbf16, #tpu.memory_space<hbm>> -> memref<128x128xbf16, #tpu.memory_space<hbm>>
        %dma_wait3A_323 = tpu.memref_slice %arg9[%dma_wait3A_316] : memref<2x!tpu.dma_semaphore, #tpu.memory_space<semaphore_mem>> -> memref<1x!tpu.dma_semaphore, #tpu.memory_space<semaphore_mem>>
        %dma_wait3A_324 = tpu.memref_squeeze %dma_wait3A_323 : memref<1x!tpu.dma_semaphore, #tpu.memory_space<semaphore_mem>> -> memref<!tpu.dma_semaphore, #tpu.memory_space<semaphore_mem>>
        %dma_wait3A_325 = arith.constant 0 : i32
        %dma_wait3A_326 = tpu.memref_slice %arg4[%mul3A_2, %dma_wait3A_325] : memref<819200x128xbf16, #tpu.memory_space<hbm>> -> memref<128x128xbf16, #tpu.memory_space<hbm>>
        %dma_wait3A_327 = arith.constant 0 : i32
        %dma_wait3A_328 = arith.constant 0 : i32
        %dma_wait3A_329 = tpu.memref_slice %arg7[%dma_wait3A_315, %dma_wait3A_327, %dma_wait3A_328] : memref<2x128x128xbf16, #tpu.memory_space<vmem>> -> memref<1x128x128xbf16, #tpu.memory_space<vmem>>
        %dma_wait3A_330 = tpu.memref_squeeze %dma_wait3A_329 : memref<1x128x128xbf16, #tpu.memory_space<vmem>> -> memref<128x128xbf16, #tpu.memory_space<vmem>>
        tpu.wait_dma2 semaphore(%dma_wait3A_324 : memref<!tpu.dma_semaphore, #tpu.memory_space<semaphore_mem>>) src(%dma_wait3A_330 : memref<128x128xbf16, #tpu.memory_space<vmem>>) dst(%dma_wait3A_326 : memref<128x128xbf16, #tpu.memory_space<hbm>>)
      } else {
      }
      %mul3A_289 = arith.constant 128 : i32
      %mul3A_290 = arith.muli %add3A_265, %mul3A_289 : i32
      %add3A_291 = arith.addi %mul3A_2, %mul3A_290 : i32
      %dma_start3A_292 = arith.constant 1 : i32
      %dma_start3A_293 = arith.constant 1 : i32
      %dma_start3A_294 = arith.constant 0 : i32
      %dma_start3A_295 = arith.constant 0 : i32
      %dma_start3A_296 = tpu.memref_slice %arg7[%dma_start3A_292, %dma_start3A_294, %dma_start3A_295] : memref<2x128x128xbf16, #tpu.memory_space<vmem>> -> memref<1x128x128xbf16, #tpu.memory_space<vmem>>
      %dma_start3A_297 = tpu.memref_squeeze %dma_start3A_296 : memref<1x128x128xbf16, #tpu.memory_space<vmem>> -> memref<128x128xbf16, #tpu.memory_space<vmem>>
      %dma_start3A_298 = arith.constant 0 : i32
      %dma_start3A_299 = tpu.memref_slice %arg4[%add3A_291, %dma_start3A_298] : memref<819200x128xbf16, #tpu.memory_space<hbm>> -> memref<128x128xbf16, #tpu.memory_space<hbm>>
      %dma_start3A_300 = tpu.memref_slice %arg9[%dma_start3A_293] : memref<2x!tpu.dma_semaphore, #tpu.memory_space<semaphore_mem>> -> memref<1x!tpu.dma_semaphore, #tpu.memory_space<semaphore_mem>>
      %dma_start3A_301 = tpu.memref_squeeze %dma_start3A_300 : memref<1x!tpu.dma_semaphore, #tpu.memory_space<semaphore_mem>> -> memref<!tpu.dma_semaphore, #tpu.memory_space<semaphore_mem>>
      %dma_start3A_302 = arith.constant 0 : i32
      %dma_start3A_303 = tpu.memref_slice %arg4[%add3A_291, %dma_start3A_302] : memref<819200x128xbf16, #tpu.memory_space<hbm>> -> memref<128x128xbf16, #tpu.memory_space<hbm>>
      %dma_start3A_304 = arith.constant 0 : i32
      %dma_start3A_305 = arith.constant 0 : i32
      %dma_start3A_306 = tpu.memref_slice %arg7[%dma_start3A_292, %dma_start3A_304, %dma_start3A_305] : memref<2x128x128xbf16, #tpu.memory_space<vmem>> -> memref<1x128x128xbf16, #tpu.memory_space<vmem>>
      %dma_start3A_307 = tpu.memref_squeeze %dma_start3A_306 : memref<1x128x128xbf16, #tpu.memory_space<vmem>> -> memref<128x128xbf16, #tpu.memory_space<vmem>>
      tpu.enqueue_dma source(%dma_start3A_307 : memref<128x128xbf16, #tpu.memory_space<vmem>>) target(%dma_start3A_303 : memref<128x128xbf16, #tpu.memory_space<hbm>>) target_semaphore(%dma_start3A_301 : memref<!tpu.dma_semaphore, #tpu.memory_space<semaphore_mem>>)
      %add3A_308 = arith.constant 4 : i32
      %add3A_309 = arith.addi %add3A_265, %add3A_308 : i32
      %lt3A_310 = arith.constant 200 : i32
      %lt3A_311 = arith.cmpi slt, %add3A_309, %lt3A_310 : i32
      %convert_element_type3A_312 = arith.extui %lt3A_311 : i1 to i32
      %cond3A_313 = arith.constant 0 : i32
      %cond3A_314 = arith.cmpi ne, %convert_element_type3A_312, %cond3A_313 : i32
      scf.if %cond3A_314 {
        %add3A_315 = arith.constant 4 : i32
        %add3A_316 = arith.addi %add3A_265, %add3A_315 : i32
        %dma_start3A_317 = arith.constant 3 : i32
        %dma_start3A_318 = arith.constant 3 : i32
        %dma_start3A_319 = arith.constant 0 : i32
        %dma_start3A_320 = arith.constant 0 : i32
        %dma_start3A_321 = tpu.memref_slice %arg6[%dma_start3A_317, %dma_start3A_319, %dma_start3A_320] : memref<4x128x128xi32, #tpu.memory_space<vmem>> -> memref<1x128x128xi32, #tpu.memory_space<vmem>>
        %dma_start3A_322 = tpu.memref_squeeze %dma_start3A_321 : memref<1x128x128xi32, #tpu.memory_space<vmem>> -> memref<128x128xi32, #tpu.memory_space<vmem>>
        %dma_start3A_323 = arith.constant 0 : i32
        %dma_start3A_324 = tpu.memref_slice %arg5[%add3A_316, %dma_start3A_323] : memref<200x128xi32, #tpu.memory_space<vmem>> -> memref<1x128xi32, #tpu.memory_space<vmem>>
        %dma_start3A_325 = tpu.memref_squeeze %dma_start3A_324 : memref<1x128xi32, #tpu.memory_space<vmem>> -> memref<128xi32, #tpu.memory_space<vmem>>
        %dma_start3A_326 = arith.constant 0 : i32
        %dma_start3A_327 = arith.constant 0 : i32
        %dma_start3A_328 = tpu.memref_slice %arg2[%dma_start3A_326, %dma_start3A_327] : memref<100000x128xi32, #tpu.memory_space<hbm>> -> memref<100000x128xi32, #tpu.memory_space<hbm>>
        %dma_start3A_329 = tpu.memref_slice %arg8[%dma_start3A_318] : memref<4x!tpu.dma_semaphore, #tpu.memory_space<semaphore_mem>> -> memref<1x!tpu.dma_semaphore, #tpu.memory_space<semaphore_mem>>
        %dma_start3A_330 = tpu.memref_squeeze %dma_start3A_329 : memref<1x!tpu.dma_semaphore, #tpu.memory_space<semaphore_mem>> -> memref<!tpu.dma_semaphore, #tpu.memory_space<semaphore_mem>>
        tpu.enqueue_indirect_dma source(%dma_start3A_328 : memref<100000x128xi32, #tpu.memory_space<hbm>>) target(%dma_start3A_322 : memref<128x128xi32, #tpu.memory_space<vmem>>) offsets(%dma_start3A_325 : memref<128xi32, #tpu.memory_space<vmem>>) semaphore(%dma_start3A_330 : memref<!tpu.dma_semaphore, #tpu.memory_space<semaphore_mem>>)
      } else {
      }
    }
    %scan3A_74 = arith.constant 50 : i32
    %dma_wait3A = arith.constant 0 : i32
    %dma_wait3A_75 = arith.constant 0 : i32
    %dma_wait3A_76 = arith.constant 0 : i32
    %dma_wait3A_77 = arith.constant 0 : i32
    %dma_wait3A_78 = tpu.memref_slice %arg7[%dma_wait3A, %dma_wait3A_76, %dma_wait3A_77] : memref<2x128x128xbf16, #tpu.memory_space<vmem>> -> memref<1x128x128xbf16, #tpu.memory_space<vmem>>
    %dma_wait3A_79 = tpu.memref_squeeze %dma_wait3A_78 : memref<1x128x128xbf16, #tpu.memory_space<vmem>> -> memref<128x128xbf16, #tpu.memory_space<vmem>>
    %dma_wait3A_80 = arith.constant 0 : i32
    %dma_wait3A_81 = tpu.memref_slice %arg4[%mul3A_2, %dma_wait3A_80] : memref<819200x128xbf16, #tpu.memory_space<hbm>> -> memref<128x128xbf16, #tpu.memory_space<hbm>>
    %dma_wait3A_82 = tpu.memref_slice %arg9[%dma_wait3A_75] : memref<2x!tpu.dma_semaphore, #tpu.memory_space<semaphore_mem>> -> memref<1x!tpu.dma_semaphore, #tpu.memory_space<semaphore_mem>>
    %dma_wait3A_83 = tpu.memref_squeeze %dma_wait3A_82 : memref<1x!tpu.dma_semaphore, #tpu.memory_space<semaphore_mem>> -> memref<!tpu.dma_semaphore, #tpu.memory_space<semaphore_mem>>
    %dma_wait3A_84 = arith.constant 0 : i32
    %dma_wait3A_85 = tpu.memref_slice %arg4[%mul3A_2, %dma_wait3A_84] : memref<819200x128xbf16, #tpu.memory_space<hbm>> -> memref<128x128xbf16, #tpu.memory_space<hbm>>
    %dma_wait3A_86 = arith.constant 0 : i32
    %dma_wait3A_87 = arith.constant 0 : i32
    %dma_wait3A_88 = tpu.memref_slice %arg7[%dma_wait3A, %dma_wait3A_86, %dma_wait3A_87] : memref<2x128x128xbf16, #tpu.memory_space<vmem>> -> memref<1x128x128xbf16, #tpu.memory_space<vmem>>
    %dma_wait3A_89 = tpu.memref_squeeze %dma_wait3A_88 : memref<1x128x128xbf16, #tpu.memory_space<vmem>> -> memref<128x128xbf16, #tpu.memory_space<vmem>>
    tpu.wait_dma2 semaphore(%dma_wait3A_83 : memref<!tpu.dma_semaphore, #tpu.memory_space<semaphore_mem>>) src(%dma_wait3A_89 : memref<128x128xbf16, #tpu.memory_space<vmem>>) dst(%dma_wait3A_85 : memref<128x128xbf16, #tpu.memory_space<hbm>>)
    %dma_wait3A_90 = arith.constant 1 : i32
    %dma_wait3A_91 = arith.constant 1 : i32
    %dma_wait3A_92 = arith.constant 0 : i32
    %dma_wait3A_93 = arith.constant 0 : i32
    %dma_wait3A_94 = tpu.memref_slice %arg7[%dma_wait3A_90, %dma_wait3A_92, %dma_wait3A_93] : memref<2x128x128xbf16, #tpu.memory_space<vmem>> -> memref<1x128x128xbf16, #tpu.memory_space<vmem>>
    %dma_wait3A_95 = tpu.memref_squeeze %dma_wait3A_94 : memref<1x128x128xbf16, #tpu.memory_space<vmem>> -> memref<128x128xbf16, #tpu.memory_space<vmem>>
    %dma_wait3A_96 = arith.constant 0 : i32
    %dma_wait3A_97 = tpu.memref_slice %arg4[%mul3A_2, %dma_wait3A_96] : memref<819200x128xbf16, #tpu.memory_space<hbm>> -> memref<128x128xbf16, #tpu.memory_space<hbm>>
    %dma_wait3A_98 = tpu.memref_slice %arg9[%dma_wait3A_91] : memref<2x!tpu.dma_semaphore, #tpu.memory_space<semaphore_mem>> -> memref<1x!tpu.dma_semaphore, #tpu.memory_space<semaphore_mem>>
    %dma_wait3A_99 = tpu.memref_squeeze %dma_wait3A_98 : memref<1x!tpu.dma_semaphore, #tpu.memory_space<semaphore_mem>> -> memref<!tpu.dma_semaphore, #tpu.memory_space<semaphore_mem>>
    %dma_wait3A_100 = arith.constant 0 : i32
    %dma_wait3A_101 = tpu.memref_slice %arg4[%mul3A_2, %dma_wait3A_100] : memref<819200x128xbf16, #tpu.memory_space<hbm>> -> memref<128x128xbf16, #tpu.memory_space<hbm>>
    %dma_wait3A_102 = arith.constant 0 : i32
    %dma_wait3A_103 = arith.constant 0 : i32
    %dma_wait3A_104 = tpu.memref_slice %arg7[%dma_wait3A_90, %dma_wait3A_102, %dma_wait3A_103] : memref<2x128x128xbf16, #tpu.memory_space<vmem>> -> memref<1x128x128xbf16, #tpu.memory_space<vmem>>
    %dma_wait3A_105 = tpu.memref_squeeze %dma_wait3A_104 : memref<1x128x128xbf16, #tpu.memory_space<vmem>> -> memref<128x128xbf16, #tpu.memory_space<vmem>>
    tpu.wait_dma2 semaphore(%dma_wait3A_99 : memref<!tpu.dma_semaphore, #tpu.memory_space<semaphore_mem>>) src(%dma_wait3A_105 : memref<128x128xbf16, #tpu.memory_space<vmem>>) dst(%dma_wait3A_101 : memref<128x128xbf16, #tpu.memory_space<hbm>>)
    return
  }
}

module attributes {stable_mosaic.version = 14 : i64} {
  func.func @_scale_dup_body(%arg0: i32, %arg1: memref<4000x128xbf16, #tpu.memory_space<vmem>>, %arg2: memref<2x2000x128xi32, #tpu.memory_space<vmem>>) attributes {dimension_semantics = [#tpu.dimension_semantics<arbitrary>], iteration_bounds = array<i64: 25>, scalar_prefetch = 0 : i64, scratch_operands = 0 : i64, tpu.core_type = #tpu.core_type<tc>, window_params = [{transform_indices = @transform_0, window_bounds = array<i64: 4000, 128>}, {transform_indices = @transform_1, window_bounds = array<i64: 2, 2000, 128>}]} {
    %get3A = tpu.memref_bitcast %arg1 : memref<4000x128xbf16, #tpu.memory_space<vmem>> -> memref<2000x128xi32, #tpu.memory_space<vmem>>
    %get3A_0 = arith.constant 0 : index
    %get3A_1 = arith.constant 0 : index
    %get3A_2 = vector.load %get3A[%get3A_0, %get3A_1] : memref<2000x128xi32, #tpu.memory_space<vmem>>, vector<2000x128xi32>
    %and3A = arith.constant 65535 : i32
    %and3A_3 = vector.broadcast %and3A : i32 to vector<2000x128xi32>
    %and3A_4 = arith.andi %get3A_2, %and3A_3 : vector<2000x128xi32>
    %and3A_5 = arith.constant 32768 : i32
    %and3A_6 = vector.broadcast %and3A_5 : i32 to vector<2000x128xi32>
    %and3A_7 = arith.andi %and3A_4, %and3A_6 : vector<2000x128xi32>
    %and3A_8 = arith.constant 32767 : i32
    %and3A_9 = vector.broadcast %and3A_8 : i32 to vector<2000x128xi32>
    %and3A_10 = arith.andi %and3A_4, %and3A_9 : vector<2000x128xi32>
    %shift_left3A = arith.constant 13 : i32
    %shift_left3A_11 = vector.broadcast %shift_left3A : i32 to vector<2000x128xi32>
    %shift_left3A_12 = arith.shli %and3A_10, %shift_left3A_11 : vector<2000x128xi32>
    %bitcast_convert_type3A = tpu.bitcast %shift_left3A_12 : vector<2000x128xi32> -> vector<2000x128xf32>
    %mul3A = arith.constant 5.87378582E+34 : f32
    %mul3A_13 = vector.broadcast %mul3A : f32 to vector<2000x128xf32>
    %mul3A_14 = arith.mulf %bitcast_convert_type3A, %mul3A_13 : vector<2000x128xf32>
    %convert_element_type3A = arith.sitofp %and3A_10 : vector<2000x128xi32> to vector<2000x128xf32>
    %mul3A_15 = arith.constant 6.74277544E-7 : f32
    %mul3A_16 = vector.broadcast %mul3A_15 : f32 to vector<2000x128xf32>
    %mul3A_17 = arith.mulf %convert_element_type3A, %mul3A_16 : vector<2000x128xf32>
    %lt3A = arith.constant 1024 : i32
    %lt3A_18 = vector.broadcast %lt3A : i32 to vector<2000x128xi32>
    %lt3A_19 = arith.cmpi slt, %and3A_10, %lt3A_18 : vector<2000x128xi32>
    %select_n3A = arith.select %lt3A_19, %mul3A_17, %mul3A_14 : vector<2000x128xi1>, vector<2000x128xf32>
    %bitcast_convert_type3A_20 = tpu.bitcast %select_n3A : vector<2000x128xf32> -> vector<2000x128xi32>
    %lt3A_21 = arith.constant 947912704 : i32
    %lt3A_22 = vector.broadcast %lt3A_21 : i32 to vector<2000x128xi32>
    %lt3A_23 = arith.cmpi slt, %bitcast_convert_type3A_20, %lt3A_22 : vector<2000x128xi32>
    %add3A = arith.constant 5.000000e-01 : f32
    %add3A_24 = vector.broadcast %add3A : f32 to vector<2000x128xf32>
    %add3A_25 = arith.addf %select_n3A, %add3A_24 : vector<2000x128xf32>
    %bitcast_convert_type3A_26 = tpu.bitcast %add3A_25 : vector<2000x128xf32> -> vector<2000x128xi32>
    %sub3A = arith.constant 1056964608 : i32
    %sub3A_27 = vector.broadcast %sub3A : i32 to vector<2000x128xi32>
    %sub3A_28 = arith.subi %bitcast_convert_type3A_26, %sub3A_27 : vector<2000x128xi32>
    %shift_right_logical3A = arith.constant 13 : i32
    %shift_right_logical3A_29 = vector.broadcast %shift_right_logical3A : i32 to vector<2000x128xi32>
    %shift_right_logical3A_30 = arith.shrui %bitcast_convert_type3A_20, %shift_right_logical3A_29 : vector<2000x128xi32>
    %and3A_31 = arith.constant 1 : i32
    %and3A_32 = vector.broadcast %and3A_31 : i32 to vector<2000x128xi32>
    %and3A_33 = arith.andi %shift_right_logical3A_30, %and3A_32 : vector<2000x128xi32>
    %add3A_34 = arith.constant -939520001 : i32
    %add3A_35 = vector.broadcast %add3A_34 : i32 to vector<2000x128xi32>
    %add3A_36 = arith.addi %bitcast_convert_type3A_20, %add3A_35 : vector<2000x128xi32>
    %add3A_37 = arith.addi %add3A_36, %and3A_33 : vector<2000x128xi32>
    %shift_right_logical3A_38 = arith.constant 13 : i32
    %shift_right_logical3A_39 = vector.broadcast %shift_right_logical3A_38 : i32 to vector<2000x128xi32>
    %shift_right_logical3A_40 = arith.shrui %add3A_37, %shift_right_logical3A_39 : vector<2000x128xi32>
    %select_n3A_41 = arith.select %lt3A_23, %sub3A_28, %shift_right_logical3A_40 : vector<2000x128xi1>, vector<2000x128xi32>
    %or3A = arith.ori %select_n3A_41, %and3A_7 : vector<2000x128xi32>
    %shift_right_logical3A_42 = arith.constant 16 : i32
    %shift_right_logical3A_43 = vector.broadcast %shift_right_logical3A_42 : i32 to vector<2000x128xi32>
    %shift_right_logical3A_44 = arith.shrui %get3A_2, %shift_right_logical3A_43 : vector<2000x128xi32>
    %and3A_45 = arith.constant 32768 : i32
    %and3A_46 = vector.broadcast %and3A_45 : i32 to vector<2000x128xi32>
    %and3A_47 = arith.andi %shift_right_logical3A_44, %and3A_46 : vector<2000x128xi32>
    %and3A_48 = arith.constant 32767 : i32
    %and3A_49 = vector.broadcast %and3A_48 : i32 to vector<2000x128xi32>
    %and3A_50 = arith.andi %shift_right_logical3A_44, %and3A_49 : vector<2000x128xi32>
    %shift_left3A_51 = arith.constant 13 : i32
    %shift_left3A_52 = vector.broadcast %shift_left3A_51 : i32 to vector<2000x128xi32>
    %shift_left3A_53 = arith.shli %and3A_50, %shift_left3A_52 : vector<2000x128xi32>
    %bitcast_convert_type3A_54 = tpu.bitcast %shift_left3A_53 : vector<2000x128xi32> -> vector<2000x128xf32>
    %mul3A_55 = arith.constant 5.87378582E+34 : f32
    %mul3A_56 = vector.broadcast %mul3A_55 : f32 to vector<2000x128xf32>
    %mul3A_57 = arith.mulf %bitcast_convert_type3A_54, %mul3A_56 : vector<2000x128xf32>
    %convert_element_type3A_58 = arith.sitofp %and3A_50 : vector<2000x128xi32> to vector<2000x128xf32>
    %mul3A_59 = arith.constant 6.74277544E-7 : f32
    %mul3A_60 = vector.broadcast %mul3A_59 : f32 to vector<2000x128xf32>
    %mul3A_61 = arith.mulf %convert_element_type3A_58, %mul3A_60 : vector<2000x128xf32>
    %lt3A_62 = arith.constant 1024 : i32
    %lt3A_63 = vector.broadcast %lt3A_62 : i32 to vector<2000x128xi32>
    %lt3A_64 = arith.cmpi slt, %and3A_50, %lt3A_63 : vector<2000x128xi32>
    %select_n3A_65 = arith.select %lt3A_64, %mul3A_61, %mul3A_57 : vector<2000x128xi1>, vector<2000x128xf32>
    %bitcast_convert_type3A_66 = tpu.bitcast %select_n3A_65 : vector<2000x128xf32> -> vector<2000x128xi32>
    %lt3A_67 = arith.constant 947912704 : i32
    %lt3A_68 = vector.broadcast %lt3A_67 : i32 to vector<2000x128xi32>
    %lt3A_69 = arith.cmpi slt, %bitcast_convert_type3A_66, %lt3A_68 : vector<2000x128xi32>
    %add3A_70 = arith.constant 5.000000e-01 : f32
    %add3A_71 = vector.broadcast %add3A_70 : f32 to vector<2000x128xf32>
    %add3A_72 = arith.addf %select_n3A_65, %add3A_71 : vector<2000x128xf32>
    %bitcast_convert_type3A_73 = tpu.bitcast %add3A_72 : vector<2000x128xf32> -> vector<2000x128xi32>
    %sub3A_74 = arith.constant 1056964608 : i32
    %sub3A_75 = vector.broadcast %sub3A_74 : i32 to vector<2000x128xi32>
    %sub3A_76 = arith.subi %bitcast_convert_type3A_73, %sub3A_75 : vector<2000x128xi32>
    %shift_right_logical3A_77 = arith.constant 13 : i32
    %shift_right_logical3A_78 = vector.broadcast %shift_right_logical3A_77 : i32 to vector<2000x128xi32>
    %shift_right_logical3A_79 = arith.shrui %bitcast_convert_type3A_66, %shift_right_logical3A_78 : vector<2000x128xi32>
    %and3A_80 = arith.constant 1 : i32
    %and3A_81 = vector.broadcast %and3A_80 : i32 to vector<2000x128xi32>
    %and3A_82 = arith.andi %shift_right_logical3A_79, %and3A_81 : vector<2000x128xi32>
    %add3A_83 = arith.constant -939520001 : i32
    %add3A_84 = vector.broadcast %add3A_83 : i32 to vector<2000x128xi32>
    %add3A_85 = arith.addi %bitcast_convert_type3A_66, %add3A_84 : vector<2000x128xi32>
    %add3A_86 = arith.addi %add3A_85, %and3A_82 : vector<2000x128xi32>
    %shift_right_logical3A_87 = arith.constant 13 : i32
    %shift_right_logical3A_88 = vector.broadcast %shift_right_logical3A_87 : i32 to vector<2000x128xi32>
    %shift_right_logical3A_89 = arith.shrui %add3A_86, %shift_right_logical3A_88 : vector<2000x128xi32>
    %select_n3A_90 = arith.select %lt3A_69, %sub3A_76, %shift_right_logical3A_89 : vector<2000x128xi1>, vector<2000x128xi32>
    %or3A_91 = arith.ori %select_n3A_90, %and3A_47 : vector<2000x128xi32>
    %shift_left3A_92 = arith.constant 16 : i32
    %shift_left3A_93 = vector.broadcast %shift_left3A_92 : i32 to vector<2000x128xi32>
    %shift_left3A_94 = arith.shli %or3A, %shift_left3A_93 : vector<2000x128xi32>
    %or3A_95 = arith.ori %or3A, %shift_left3A_94 : vector<2000x128xi32>
    %swap3A = arith.constant 0 : index
    %swap3A_96 = arith.constant 0 : index
    %swap3A_97 = arith.constant 0 : index
    %swap3A_98 = vector.load %arg2[%swap3A, %swap3A_96, %swap3A_97] : memref<2x2000x128xi32, #tpu.memory_space<vmem>>, vector<1x2000x128xi32>
    %swap3A_99 = vector.shape_cast %swap3A_98 : vector<1x2000x128xi32> to vector<2000x128xi32>
    %swap3A_100 = vector.shape_cast %or3A_95 : vector<2000x128xi32> to vector<1x2000x128xi32>
    tpu.vector_store %arg2[%swap3A, %swap3A_96, %swap3A_97], %swap3A_100 {strides = array<i32>} : memref<2x2000x128xi32, #tpu.memory_space<vmem>>, vector<1x2000x128xi32>,
    %shift_left3A_101 = arith.constant 16 : i32
    %shift_left3A_102 = vector.broadcast %shift_left3A_101 : i32 to vector<2000x128xi32>
    %shift_left3A_103 = arith.shli %or3A_91, %shift_left3A_102 : vector<2000x128xi32>
    %or3A_104 = arith.ori %or3A_91, %shift_left3A_103 : vector<2000x128xi32>
    %swap3A_105 = arith.constant 1 : index
    %swap3A_106 = arith.constant 0 : index
    %swap3A_107 = arith.constant 0 : index
    %swap3A_108 = vector.load %arg2[%swap3A_105, %swap3A_106, %swap3A_107] : memref<2x2000x128xi32, #tpu.memory_space<vmem>>, vector<1x2000x128xi32>
    %swap3A_109 = vector.shape_cast %swap3A_108 : vector<1x2000x128xi32> to vector<2000x128xi32>
    %swap3A_110 = vector.shape_cast %or3A_104 : vector<2000x128xi32> to vector<1x2000x128xi32>
    tpu.vector_store %arg2[%swap3A_105, %swap3A_106, %swap3A_107], %swap3A_110 {strides = array<i32>} : memref<2x2000x128xi32, #tpu.memory_space<vmem>>, vector<1x2000x128xi32>,
    return
  }
  func.func @transform_0(%arg0: i32) -> (i32, i32) {
    %c0_i32 = arith.constant 0 : i32
    %c0_i32_0 = arith.constant 0 : i32
    return %arg0, %c0_i32 : i32, i32
  }
  func.func @transform_1(%arg0: i32) -> (i32, i32, i32) {
    %c0_i32 = arith.constant 0 : i32
    %c0_i32_0 = arith.constant 0 : i32
    %c0_i32_1 = arith.constant 0 : i32
    return %c0_i32, %arg0, %c0_i32_0 : i32, i32, i32
  }
}

</mosaic_0001>

<sc_bundles>
// kernel: kernel.4.cloned.1.call-start
scs
__scs_entry_jumppad:
0x0: {  	(pc) =	sbr.rel $0x88, $3  }
0x1: {  	(tag) =	ssettag $0x0;
	lr =	simm.s32 $0x1  }
0x2: {  	[smem:$0x3F9F] =	sst lr;
	_ =	strace $0xD0000000  }
0x3: {  	_ = 	snop  }
0x4: {  	_ = 	snop  }
0x5: {  	_ = 	snop  }
0x6: {  	_ = 	snop  }
0x7: {  	_ = 	snop  }
__scs_overlays_trampoline_lowered:
0x8: {  	[smem:$0x3FAE] =	sst s0  }
0x9: {  	[smem:$0x3FAF] =	sst s1  }
0xa: {  	[smem:$0x3FB0] =	sst s2  }
0xb: {  	[smem:$0x3FB1] =	sst s3  }
0xc: {  	[smem:$0x3FB2] =	sst s4  }
0xd: {  	[smem:$0x3FB3] =	sst s5  }
0xe: {  	[smem:$0x3FB4] =	sst s6  }
0xf: {  	[smem:$0x3FB5] =	sst s7  }
0x10: {  	[smem:$0x3FB6] =	sst s8  }
0x11: {  	[smem:$0x3FB7] =	sst s9;
	s0 =	simm.s32 @!p0 $0x0  }
0x12: {  	s1 =	sld [smem:$0x3F9D];
	s0 =	simm.s32 @p0 $0x1  }
0x13: {  	[smem:$0x3FB8] =	sst s0;
	s0 =	simm.s32 @!p1 $0x0  }
0x14: {  	s2 =	sld [smem:$0x3F9C];
	s0 =	simm.s32 @p1 $0x1  }
0x15: {  	[smem:$0x3FB9] =	sst s0;
	s0 =	simm.s32 @!p2 $0x0  }
0x16: {  	s3 =	sld [smem:$0x3FDB];
	s0 =	simm.s32 @p2 $0x1  }
0x17: {  	s4 =	simm.s32 $0x1BF5;
	[smem:$0x3FBB] =	sst s0  }
0x18: {  	s0 =	sld [smem:$0x3F9E];
	_ =	swait.ge [sflag:s4], $0x0  }
0x19: {  	s7 =	sld [smem:$0x3F9F]  }
0x1a: {  	s8 =	sadd.s32 $0xFFFFE003, lr  }
0x1b: {  	s9 =	sadd.s32 $0xFFFFFEF7, lr;
	s5 =	simm.s32 $0xFFFFFFFF;
	p2 =	slt.u32 s8, $0xFFFFF086  }
0x1c: {  	p1 =	slt.u32 s9, $0xF7A;
	s5 =	simm.s32 @!p2 $0x0  }
0x1d: {  	s5 =	simm.s32 @p1 $0x1;
	p0 =	seq.s32 s7, s2  }
0x1e: {  	s7 =	smul.u32 @!p0 $0xF7A, s2;
	p2 =	seq.s32 @!p0 s5, $0x0  }
0x1f: {  	s9 =	smul.u32 $0xF7A, s1;
	s8 =	simm.s32 @!p0 $0x1BF5;
	p2 =	por !p2, p0  }
0x20: {  	[sflag:s8] =	ssyncset.s32 @!p0 $0xFFFFF086;
	s6 =	sadd.s32 @!p0 s3, s7;
	s7 =	simm.s32 @!p0 $0x108  }
0x21: {  	s3 =	sadd.s32 s3, s9;
	s6 =	sadd.s32 @!p0 $0x88, s6;
	s7 =	simm.s32 @p2 $0x1082  }
0x22: {  	[simem:s7], [sflag:s8] =	dma.local @!p0 [hbm:s6], $0xF7A  }
0x23: {  	s9 =	sor.u32 $0xD0000000, s2;
	s6 =	simm.s32 $0x108;
	_ =	swait.ge @!p0 [sflag:s8], $0x0  }
0x24: {  	s3 =	sadd.s32 $0x88, s3;
	s6 =	simm.s32 @!p1 $0x1082;
	[sflag:s4] =	ssyncset.s32 $0xFFFFF086  }
0x25: {  	[simem:s6], [sflag:s4] =	dma.local [hbm:s3], $0xF7A  }
0x26: {  	[smem:$0x3F9F] =	sst s1;
	(tag) =	ssettag s2;
	_ =	strace s9  }
0x27: {  	s1 =	sld [smem:$0x3FAF]  }
0x28: {  	s2 =	sld [smem:$0x3FB0]  }
0x29: {  	s4 =	sld [smem:$0x3FB2]  }
0x2a: {  	p0 =	seq.s32 s5, $0x0;
	s5 =	sld [smem:$0x3FB3]  }
0x2b: {  	s6 =	sld [smem:$0x3FB4]  }
0x2c: {  	s7 =	sld [smem:$0x3FB5]  }
0x2d: {  	s3 =	simm.s32 $0x108;
	s8 =	sld [smem:$0x3FB6]  }
0x2e: {  	s3 =	simm.s32 @!p0 $0x1082;
	s9 =	sld [smem:$0x3FB7]  }
0x2f: {  	lr =	sadd.s32 s0, s3;
	s0 =	sld [smem:$0x3FAE]  }
0x30: {  	s3 =	sld [smem:$0x3FB1]  }
0x31: {  	[smem:$0x3FBA] =	sst s10  }
0x32: {  	s10 =	sld [smem:$0x3FB8];
	_ =	sdelay $0x3  }
0x33: {  	p0 =	seq.s32 s10, $0x1;
	s10 =	sld [smem:$0x3FBA];
	_ =	sdelay $0x3  }
0x34: {  	[smem:$0x3FBA] =	sst s10  }
0x35: {  	s10 =	sld [smem:$0x3FB9];
	_ =	sdelay $0x3  }
0x36: {  	p1 =	seq.s32 s10, $0x1;
	s10 =	sld [smem:$0x3FBA];
	_ =	sdelay $0x3  }
0x37: {  	[smem:$0x3FBA] =	sst s10  }
0x38: {  	s10 =	sld [smem:$0x3FBB]  }
0x39: {  	_ = 	snop;
	(pc) =	sbr.ind lr, $3  }
0x3a: {  	_ = 	snop  }
0x3b: {  	_ = 	snop  }
0x3c: {  	p2 =	seq.s32 s10, $0x1;
	s10 =	sld [smem:$0x3FBA]  }
0x3d: {  	_ =	shalt  }
0x3e: {  	_ =	shalt  }
0x3f: {  	_ =	shalt  }
0x40: {  	_ =	shalt  }
0x41: {  	_ =	shalt  }
0x42: {  	_ =	shalt  }
0x43: {  	_ =	shalt  }
0x44: {  	_ =	shalt  }
0x45: {  	_ =	shalt  }
0x46: {  	_ =	shalt  }
0x47: {  	_ =	shalt  }
0x48: {  	_ =	shalt  }
0x49: {  	_ =	shalt  }
0x4a: {  	_ =	shalt  }
0x4b: {  	_ =	shalt  }
0x4c: {  	_ =	shalt  }
0x4d: {  	_ =	shalt  }
0x4e: {  	_ =	shalt  }
0x4f: {  	_ =	shalt  }
0x50: {  	_ =	shalt  }
0x51: {  	_ =	shalt  }
0x52: {  	_ =	shalt  }
0x53: {  	_ =	shalt  }
0x54: {  	_ =	shalt  }
0x55: {  	_ =	shalt  }
0x56: {  	_ =	shalt  }
0x57: {  	_ =	shalt  }
0x58: {  	_ =	shalt  }
0x59: {  	_ =	shalt  }
0x5a: {  	_ =	shalt  }
0x5b: {  	_ =	shalt  }
0x5c: {  	_ =	shalt  }
0x5d: {  	_ =	shalt  }
0x5e: {  	_ =	shalt  }
0x5f: {  	_ =	shalt  }
0x60: {  	_ =	shalt  }
0x61: {  	_ =	shalt  }
0x62: {  	_ =	shalt  }
0x63: {  	_ =	shalt  }
0x64: {  	_ =	shalt  }
0x65: {  	_ =	shalt  }
0x66: {  	_ =	shalt  }
0x67: {  	_ =	shalt  }
0x68: {  	_ =	shalt  }
0x69: {  	_ =	shalt  }
0x6a: {  	_ =	shalt  }
0x6b: {  	_ =	shalt  }
0x6c: {  	_ =	shalt  }
0x6d: {  	_ =	shalt  }
0x6e: {  	_ =	shalt  }
0x6f: {  	_ =	shalt  }
0x70: {  	_ =	shalt  }
0x71: {  	_ =	shalt  }
0x72: {  	_ =	shalt  }
0x73: {  	_ =	shalt  }
0x74: {  	_ =	shalt  }
0x75: {  	_ =	shalt  }
0x76: {  	_ =	shalt  }
0x77: {  	_ =	shalt  }
0x78: {  	_ =	shalt  }
0x79: {  	_ =	shalt  }
0x7a: {  	_ =	shalt  }
0x7b: {  	_ =	shalt  }
0x7c: {  	_ =	shalt  }
0x7d: {  	_ =	shalt  }
0x7e: {  	_ =	shalt  }
0x7f: {  	_ =	shalt  }
0x80: {  	_ =	shalt  }
0x81: {  	_ =	shalt  }
0x82: {  	_ =	shalt  }
0x83: {  	_ =	shalt  }
0x84: {  	_ =	shalt  }
0x85: {  	_ =	shalt  }
0x86: {  	_ =	shalt  }
0x87: {  	_ =	shalt  }
.Lfunc_end0:
.L_simem_size_0:
called_computation_lowered:
.L_overlay_start_0:
0x88: {  	s2 =	sld [smem:$0x3FD9]  }
0x89: {  	s3 =	sld [smem:$0x3FFE];
	_ =	sdelay $0x1  }
0x8a: {  	s1 =	srdreg.scid  }
0x8b: {  	s0 =	sand.u32 $0x1, s1  }
0x8c: {  	s17 =	sshll.u32 s0, $0xA;
	s2 =	sadd.s32 s3, s2  }
0x8d: {  	s2 =	sadd.s32 s2, s17  }
0x8e: {  	[smem:$0x3FC6] =	sst s2  }
0x8f: {  	_ = 	snop  }
0x90: {  	s2 =	sld [smem:$0x3FD0];
	(tm) =	ssettm $0x1  }
0x91: {  	s18 =	sld [smem:$0x3FFB];
	_ =	sdelay $0x3  }
0x92: {  	_ =	strace s18  }
0x93: {  	s3 =	sld [smem:$0x3FFC];
	_ =	sdelay $0x3  }
0x94: {  	_ =	strace s3  }
0x95: {  	s3 =	sld [smem:$0x3FFD];
	_ =	sdelay $0x3  }
0x96: {  	_ =	strace s3  }
0x97: {  	_ =	strace $0x8FFFFFFF  }
0x98: {  	s19 =	sld [smem:$0x3FDB];
	_ =	sdelay $0x1  }
0x99: {  	s4 =	simm.s32 $_scs_section_size  }
0x9a: {  	s5 =	simm.s32 $_size__tile_overlayer_lowered;
	s6 =	simm.s32 $_tile_overlayer_lowered  }
0x9b: {  	s22 =	simm.s32 $0x1BFF;
	s21 =	sshll.u32 s6, $0x1;
	s3 =	sadd.s32 s4, s19  }
0x9c: {  	s7 =	simm.s32 $0x0;
	s20 =	sshll.u32 s5, $0x1;
	s5 =	sadd.s32 s21, s3  }
0x9d: {  	[timem:s7], [sflag:s22] =	dma.local [hbm:s5], s20  }
0x9e: {  	_ =	swait.ge [sflag:s22], s20  }
0x9f: {  	s4 =	ssub.s32 $0x0, s20;
	[sflag:s22] =	ssyncset.done $0x0  }
0xa0: {  	[sflag:s22] =	ssyncadd.s32 s4;
	_ =	sdelay $0x1  }
0xa1: {  	s23 =	simm.s32 $0x1B8B  }
0xa2: {  	_ =	swait.ge [sflag:s23], $0x1  }
0xa3: {  	[sflag:s23] =	ssyncset.done $0x0  }
0xa4: {  	s25 =	simm.s32 $0x1B8E;
	s24 =	sld [smem:$0x3FFE];
	[sflag:s23] =	ssyncadd.s32 $0xFFFFFFFF  }
0xa5: {  	s26 =	simm.s32 $execute0_lowered;
	[smem:$0x3FD2] =	sst s25  }
0xa6: {  	s5 =	sshll.u32 s26, $0x1;
	_ =	strace $0x80000046;
	[dreg:$0x1] =	wrdreg $0xFFFFFFFF  }
0xa7: {  	s28 =	simm.s32 $_size_execute0_lowered;
	s3 =	sadd.s32 s3, s5;
	[dreg:$0x0] =	wrdreg $0x0  }
0xa8: {  	s5 =	sshll.u32 s28, $0x1;
	[dreg:$0x2] =	wrdreg s3  }
0xa9: {  	[dreg:$0x3] =	wrdreg s5  }
0xaa: {  	[dreg:$0x4] =	wrdreg $0xC0  }
0xab: {  	_ =	task [dreg:s7], $0x5FFFF  }
0xac: {  	[dreg:$0x1] =	wrdreg $0xFFFFFFFF  }
0xad: {  	[dreg:$0x0] =	wrdreg $0x60  }
0xae: {  	[dreg:$0x2] =	wrdreg s2  }
0xaf: {  	[dreg:$0x3] =	wrdreg s24  }
0xb0: {  	[dreg:$0x4] =	wrdreg $0x9  }
0xb1: {  	_ =	task.clear_ibuf [dreg:s7], $0x5FFFF;
	_ =	strace $0x90000046  }
0xb2: {  	s29 =	simm.s32 $0x9;
	_ =	strace $0x80000048  }
0xb3: {  	_ =	swait.ge [sflag:s29], $0x1  }
0xb4: {  	[sflag:s29] =	ssyncadd.s32 $0xFFFFFFFF  }
0xb5: {  	_ =	strace $0x90000048  }
0xb6: {  	_ =	sfence  }
0xb7: {  	s30 =	sld [smem:$0x0];
	_ =	sdelay $0x2  }
0xb8: {  	s31 =	sshll.u32 s1, $0xD;
	s1 =	sshrl.u32 s1, $0x2  }
0xb9: {  	s3 =	sand.u32 $0x4000, s31;
	s1 =	sadd.s32 s1, s30  }
0xba: {  	s0 =	sor.u32 s3, s0;
	s1 =	sshll.u32 s1, $0x11  }
0xbb: {  	s0 =	sor.u32 s1, s0  }
0xbc: {  	s0 =	sadd.s32 $0x8F2B, s0  }
0xbd: {  	[sflag:s0] =	ssyncadd.remote.s32 $0x1  }
0xbe: {  	_ =	sfence.sel $0xFFFF  }
0xbf: {  	[dreg:$0x0] =	wrdreg $0xFFFFFFFF;
	(pc) =	sbr.abs _section_cstart, $3  }
0xc0: {  	[dreg:$0x1] =	wrdreg $0xFFFFFFFF  }
0xc1: {  	_ =	task.clear_ibuf [dreg:s7], $0x2FFFF;
	_ =	strace $0x9FFFFFFF  }
0xc2: {  	(tm) =	ssettm $0x7FFFFFFF  }
0xc3: {  	_ =	shalt  }
tec
execute0_lowered:
.L_overlay_start_1:
0x0: {  	(tag) =	ssettag $0x1  }
0x1: {  	s1 =	srdreg.scid;
	s2 =	rddreg [dreg:$0x0]  }
0x2: {  	s0 =	stileid.u32;
	s4 =	rddreg [dreg:$0x1]  }
0x3: {  	s3 =	simm.s32 $0x0;
	s11 =	simm.s32 $0xA400;
	s12 =	simm.s32 $0x100  }
0x4: {  	s13 =	simm.s32 $0xE400;
	s14 =	simm.s32 $0x180;
	s15 =	simm.s32 $0x12400  }
0x5: {  	s16 =	simm.s32 $0x1;
	s17 =	simm.s32 $0x16400;
	s18 =	simm.s32 $0x2  }
0x6: {  	s19 =	simm.s32 $0x6;
	s20 =	simm.s32 $0x18400;
	s21 =	simm.s32 $0x3  }
0x7: {  	s22 =	simm.s32 $0x5;
	s23 =	simm.s32 $0x4;
	s7 =	smul.u32 $0x640000, s0  }
0x8: {  	s24 =	simm.s32 $0x0;
	s5 =	sand.u32 $0x1, s1;
	s28 =	smul.u32 $0x64000, s0  }
0x9: {  	s25 =	sshll.u32 s0, $0x1;
	s1 =	rddreg [dreg:$0x2];
	s9 =	smul.u32 $0x320000, s5  }
0xa: {  	[smem:$0x7FF] =	sst s3;
	s6 =	sor.u32 s5, s25;
	s30 =	smul.u32 $0x32000, s5  }
0xb: {  	s10 =	sadd.s32 $0x19400, s4;
	s8 =	ssub.s32 $0x2, s5;
	s6 =	smul.u32 $0xC80, s6  }
.Ltmp0:
0xc: {  	_ =	strace $0x80000047;
	s26 =	sshrl.u32 s8, $0x1;
	(pc) =	sbr.rel .LBB2_1-.Ltmp0, $4  }
0xd: {  	s31 =	sadd.s32 s28, s10;
	s8 =	ssub.s32 s8, s26;
	s7 =	sadd.s32 s9, s7  }
0xe: {  	s9 =	simm.s32 $0x80;
	s6 =	sadd.s32 s6, s4;
	s29 =	sshrl.u32 s7, $0x4  }
0xf: {  	s5 =	smax.u32 s8, $0x1;
	s7 =	sadd.s32 s30, s31;
	s8 =	simm.s32 $0x7  }
0x10: {  	v0 =	vimm.s32 $0x0;
	s4 =	sadd.s32 $0x400, s6;
	s6 =	sadd.s32 s29, s10;
	s10 =	simm.s32 $0x6400  }
.LBB2_10:
0x11: {  	s24 =	sadd.s32 $0x1, s24  }
0x12: {  	_ =	swait.ge [sflag:s22], $0x2000;
	p0 =	sne.s32 s24, s5  }
.Ltmp1:
0x13: {  	[sflag:s22] =	ssyncset.done $0x0;
	(pc) =	sbr.rel @!p0 .LBB2_11-.Ltmp1, $4  }
0x14: {  	[sflag:s22] =	ssyncadd.s32 $0xFFFFE000  }
0x15: {  	_ =	swait.ge [sflag:s19], $0x2000  }
0x16: {  	[sflag:s19] =	ssyncset.done $0x0  }
0x17: {  	[sflag:s19] =	ssyncadd.s32 $0xFFFFE000  }
.LBB2_1:
0x18: {  	[tilespmem:s3], [sflag:$0x7] =	stream.linear.gather [hbm4b:s4+s3], $0x6400, $0x38;
	[tilespmem:$0x1A400] =	vst v63  }
0x19: {  	_ =	swait.ge [sflag:s8], $0x6400  }
0x1a: {  	[sflag:s8] =	ssyncset.done $0x0  }
0x1b: {  	s25 =	simm.s32 $0x0;
	[sflag:s8] =	ssyncadd.s32 $0xFFFF9C00  }
0x1c: {  	v1 =	vld [tilespmem:s25+$0x0]  }
0x1d: {  	v2 =	vld [tilespmem:s25+$0x10];
	_ =	sdelay $0x2  }
0x1e: {  	v8 =	vld [tilespmem:s25+$0x20]  }
0x1f: {  	v4 =	vand.u32 $0x1, v1  }
0x20: {  	v3 =	vld [tilespmem:s25+$0x30];
	vm0 =	veq.s32 v4, $0x1;
	v4 =	vand.u32 $0x1, v2  }
0x21: {  	vm14 =	veq.s32 v4, $0x1;
	v4 =	vld [tilespmem:s25+$0x40]  }
0x22: {  	v1 =	vshrl.u32 v1, $0x1;
	v9 =	vshrl.u32 v2, $0x1  }
0x23: {  	v10 =	vand.u32 $0x1, v8;
	v8 =	vshrl.u32 v8, $0x1;
	v2 =	vld [tilespmem:s25+$0x50];
	v5 =	vsel vm0, $0xC350, v0  }
0x24: {  	vm15 =	veq.s32 v10, $0x1;
	v7 =	vsel vm14, $0xC350, v0;
	v6 =	vadd.s32 v1, v5  }
0x25: {  	s26 =	simm.s32 $0x200;
	v1 =	vld [tilespmem:s25+$0x60];
	v5 =	vadd.s32 v9, v7;
	v7 =	vsel vm15, $0xC350, v0;
	v9 =	vand.u32 $0x1, v3  }
.LBB2_2:
0x26: {  	p0 =	sne.s32 s26, $0x18E00;
	v7 =	vadd.s32 v8, v7;
	vm0 =	veq.s32 v9, $0x1;
	v8 =	vand.u32 $0x1, v4;
	v9 =	vld [tilespmem:s25+$0x70]  }
0x27: {  	v3 =	vshrl.u32 v3, $0x1;
	v10 =	vsel vm0, $0xC350, v0;
	vm0 =	veq.s32 v8, $0x1  }
0x28: {  	s28 =	sshra.s32 s26, $0x2;
	v4 =	vshrl.u32 v4, $0x1;
	[tilespmem:s25+$0x0] =	vst v6;
	v6 =	vsel vm0, $0xC350, v0;
	v8 =	vand.u32 $0x1, v2  }
0x29: {  	v3 =	vadd.s32 v3, v10;
	v11 =	vld [tilespmem:s28+$0x0];
	[tilespmem:s25+$0x10] =	vst v5;
	v4 =	vadd.s32 v4, v6;
	vm0 =	veq.s32 v8, $0x1  }
0x2a: {  	v2 =	vshrl.u32 v2, $0x1;
	v5 =	vld [tilespmem:s28+$0x10];
	[tilespmem:s25+$0x20] =	vst v7;
	v6 =	vsel vm0, $0xC350, v0;
	v7 =	vand.u32 $0x1, v1  }
0x2b: {  	[tilespmem:s25+$0x30] =	vst v3;
	v2 =	vadd.s32 v2, v6;
	vm0 =	veq.s32 v7, $0x1;
	v3 =	vand.u32 $0x1, v9  }
0x2c: {  	v1 =	vshrl.u32 v1, $0x1;
	v8 =	vld [tilespmem:s28+$0x20];
	[tilespmem:s25+$0x40] =	vst v4;
	v4 =	vsel vm0, $0xC350, v0;
	vm0 =	veq.s32 v3, $0x1  }
0x2d: {  	[tilespmem:s25+$0x50] =	vst v2;
	v1 =	vadd.s32 v1, v4;
	v2 =	vsel vm0, $0xC350, v0;
	v4 =	vshrl.u32 v9, $0x1  }
0x2e: {  	v6 =	vand.u32 $0x1, v11;
	v3 =	vld [tilespmem:s28+$0x30];
	[tilespmem:s25+$0x60] =	vst v1;
	v1 =	vadd.s32 v4, v2  }
.Ltmp2:
0x2f: {  	vm0 =	veq.s32 v6, $0x1;
	v2 =	vand.u32 $0x1, v5;
	v4 =	vld [tilespmem:s28+$0x40];
	[tilespmem:s25+$0x70] =	vst v1;
	s25 =	smov.u32 s28;
	(pc) =	sbr.rel @p0 .LBB2_2-.Ltmp2, $4  }
0x30: {  	v6 =	vshrl.u32 v11, $0x1;
	v1 =	vsel vm0, $0xC350, v0;
	vm0 =	veq.s32 v2, $0x1  }
0x31: {  	v5 =	vshrl.u32 v5, $0x1;
	v7 =	vsel vm0, $0xC350, v0;
	v9 =	vand.u32 $0x1, v8;
	v2 =	vld [tilespmem:s25+$0x50]  }
0x32: {  	v6 =	vadd.s32 v6, v1;
	v5 =	vadd.s32 v5, v7;
	vm0 =	veq.s32 v9, $0x1  }
0x33: {  	s26 =	sadd.s32 $0x200, s26;
	v8 =	vshrl.u32 v8, $0x1;
	v7 =	vsel vm0, $0xC350, v0;
	v9 =	vand.u32 $0x1, v3;
	v1 =	vld [tilespmem:s25+$0x60]  }
0x34: {  	v7 =	vadd.s32 v8, v7;
	vm0 =	veq.s32 v9, $0x1;
	v56 =	vand.u32 $0x1, v4;
	v57 =	vld [tilespmem:s25+$0x70]  }
0x35: {  	v3 =	vshrl.u32 v3, $0x1;
	v59 =	vshrl.u32 v4, $0x1;
	vm12 =	veq.s32 v56, $0x1  }
0x36: {  	[tilespmem:s25+$0x0] =	vst v6;
	v10 =	vsel vm0, $0xC350, v0;
	v58 =	vsel vm12, $0xC350, v0;
	v60 =	vand.u32 $0x1, v2  }
0x37: {  	[tilespmem:s25+$0x10] =	vst v5;
	v3 =	vadd.s32 v3, v10;
	v2 =	vshrl.u32 v2, $0x1;
	vm13 =	veq.s32 v60, $0x1  }
0x38: {  	[tilespmem:s25+$0x20] =	vst v7;
	v4 =	vadd.s32 v59, v58;
	v61 =	vsel vm13, $0xC350, v0;
	v62 =	vand.u32 $0x1, v1  }
0x39: {  	[tilespmem:s25+$0x30] =	vst v3;
	v1 =	vshrl.u32 v1, $0x1;
	vm14 =	veq.s32 v62, $0x1;
	v3 =	vand.u32 $0x1, v57  }
0x3a: {  	[tilespmem:s25+$0x40] =	vst v4;
	v2 =	vadd.s32 v2, v61;
	v63 =	vsel vm14, $0xC350, v0;
	vm15 =	veq.s32 v3, $0x1  }
0x3b: {  	[tilespmem:s25+$0x50] =	vst v2;
	v3 =	vshrl.u32 v57, $0x1;
	v1 =	vadd.s32 v1, v63;
	v2 =	vsel vm15, $0xC350, v0  }
0x3c: {  	[tilespmem:s25+$0x60] =	vst v1;
	v1 =	vadd.s32 v3, v2  }
0x3d: {  	[tilespmem:s25+$0x70] =	vst v1;
	s25 =	simm.s32 $0x0  }
0x3e: {  	[tilespmem:s10], [sflag:$0x1] =	stream.indirect.gather [hbm4b:s2+s9], $0x80, s25, s9, $0xb8;
	[tilespmem:$0x1A400] =	vst v63  }
0x3f: {  	_ = 	snop  }
0x40: {  	[tilespmem:s11], [sflag:$0x2] =	stream.indirect.gather [hbm4b:s2+s9], $0x80, s9, s9, $0xb8;
	[tilespmem:$0x1A400] =	vst v63  }
0x41: {  	_ = 	snop  }
0x42: {  	[tilespmem:s13], [sflag:$0x3] =	stream.indirect.gather [hbm4b:s2+s9], $0x80, s12, s9, $0xb8;
	[tilespmem:$0x1A400] =	vst v63  }
0x43: {  	s26 =	simm.s32 $0x200  }
0x44: {  	[tilespmem:s15], [sflag:$0x4] =	stream.indirect.gather [hbm4b:s2+s9], $0x80, s14, s9, $0xb8;
	[tilespmem:$0x1A400] =	vst v63  }
.LBB2_4:
0x45: {  	_ =	swait.ge [sflag:s16], $0x4000  }
0x46: {  	p0 =	seq.s32 s25, $0x0;
	p1 =	sne.s32 s25, $0x31000;
	[sflag:s16] =	ssyncset.done $0x0  }
.Ltmp3:
0x47: {  	s28 =	simm.s32 @!p0 $0x5;
	[sflag:s16] =	ssyncadd.s32 $0xFFFFC000;
	(pc) =	sbr.rel @p1 .LBB2_6-.Ltmp3, $4  }
0x48: {  	_ =	swait.ge @!p0 [sflag:s28], $0x2000  }
0x49: {  	[sflag:s28] =	ssyncset.done @!p0 $0x0  }
0x4a: {  	s31 =	sadd.s32 s25, s6;
	[sflag:s28] =	ssyncadd.s32 @!p0 $0xFFFFE000  }
0x4b: {  	[hbm4b:s31+s3] =	stream.linear.scatter [tilespmem:s17], [sflag:$0x5], $0x2000, $0x38;
	[tilespmem:$0x1A400] =	vst v63  }
.Ltmp4:
0x4c: {  	(pc) =	sbr.rel .LBB2_7-.Ltmp4, $4  }
0x4d: {  	_ = 	snop  }
0x4e: {  	_ =	swait.ge [sflag:s18], $0x4000  }
0x4f: {  	[sflag:s18] =	ssyncset.done $0x0  }
0x50: {  	[sflag:s18] =	ssyncadd.s32 $0xFFFFC000  }
.LBB2_6:
.Ltmp5:
0x51: {  	(pc) =	sbr.rel @p0 .LBB2_8-.Ltmp5, $4  }
0x52: {  	[tilespmem:s10], [sflag:$0x1] =	stream.indirect.gather [hbm4b:s2+s9], $0x80, s26, s9, $0xb8;
	[tilespmem:$0x1A400] =	vst v63  }
0x53: {  	_ =	swait.ge [sflag:s18], $0x4000  }
0x54: {  	[sflag:s18] =	ssyncset.done $0x0  }
0x55: {  	[sflag:s18] =	ssyncadd.s32 $0xFFFFC000  }
.LBB2_7:
0x56: {  	_ =	swait.ge [sflag:s19], $0x2000  }
0x57: {  	[sflag:s19] =	ssyncset.done $0x0  }
0x58: {  	[sflag:s19] =	ssyncadd.s32 $0xFFFFE000  }
.LBB2_8:
0x59: {  	s28 =	sadd.s32 s25, s7  }
0x5a: {  	p0 =	seq.s32 s25, $0x31000;
	s29 =	sadd.s32 $0x400, s28  }
0x5b: {  	[hbm4b:s29+s3] =	stream.linear.scatter [tilespmem:s20], [sflag:$0x6], $0x2000, $0x38;
	[tilespmem:$0x1A400] =	vst v63  }
0x5c: {  	s30 =	simm.s32 @!p0 $0x80;
	s31 =	simm.s32 @!p0 $0xA400;
	s29 =	sadd.s32 @!p0 $0x80, s26  }
0x5d: {  	[tilespmem:s31], [sflag:$0x2] =	stream.indirect.gather @!p0 [hbm4b:s2+s30], $0x80, s29, s30, $0xb8;
	[tilespmem:$0x1A400] =	vst v63  }
0x5e: {  	_ =	swait.ge [sflag:s21], $0x4000  }
0x5f: {  	[sflag:s21] =	ssyncset.done $0x0  }
0x60: {  	[sflag:s21] =	ssyncadd.s32 $0xFFFFC000  }
0x61: {  	_ =	swait.ge [sflag:s22], $0x2000  }
0x62: {  	[sflag:s22] =	ssyncset.done $0x0  }
0x63: {  	s31 =	sadd.s32 $0x800, s28;
	[sflag:s22] =	ssyncadd.s32 $0xFFFFE000  }
0x64: {  	[hbm4b:s31+s3] =	stream.linear.scatter [tilespmem:s17], [sflag:$0x5], $0x2000, $0x38;
	[tilespmem:$0x1A400] =	vst v63  }
0x65: {  	s29 =	sadd.s32 @!p0 $0x100, s26;
	s31 =	simm.s32 @!p0 $0xE400  }
0x66: {  	[tilespmem:s31], [sflag:$0x3] =	stream.indirect.gather @!p0 [hbm4b:s2+s30], $0x80, s29, s30, $0xb8;
	[tilespmem:$0x1A400] =	vst v63  }
0x67: {  	_ =	swait.ge [sflag:s23], $0x4000  }
0x68: {  	[sflag:s23] =	ssyncset.done $0x0  }
.Ltmp6:
0x69: {  	[sflag:s23] =	ssyncadd.s32 $0xFFFFC000;
	(pc) =	sbr.rel @p0 .LBB2_10-.Ltmp6, $4  }
0x6a: {  	_ =	swait.ge [sflag:s19], $0x2000  }
0x6b: {  	[sflag:s19] =	ssyncset.done $0x0  }
0x6c: {  	s28 =	sadd.s32 $0xC00, s28;
	[sflag:s19] =	ssyncadd.s32 $0xFFFFE000  }
0x6d: {  	[hbm4b:s28+s3] =	stream.linear.scatter [tilespmem:s20], [sflag:$0x6], $0x2000, $0x38;
	[tilespmem:$0x1A400] =	vst v63  }
.Ltmp7:
0x6e: {  	(pc) =	sbr.rel .LBB2_4-.Ltmp7, $3  }
0x6f: {  	_ =	sdelay $0x1  }
0x70: {  	s28 =	sadd.s32 $0x180, s26;
	s25 =	sadd.s32 $0x1000, s25;
	s26 =	sadd.s32 $0x200, s26  }
0x71: {  	[tilespmem:s15], [sflag:$0x4] =	stream.indirect.gather [hbm4b:s2+s9], $0x80, s28, s9, $0xb8;
	[tilespmem:$0x1A400] =	vst v63  }
.LBB2_11:
0x72: {  	_ =	sfence.sel $0x180000  }
0x73: {  	[bflag:$0x0] =	sbarrier.arrive $0xFFFF  }
0x74: {  	p0 =	sne.s32 s0, $0x0;
	_ =	strace $0x90000047  }
0x75: {  	s0 =	sadd.s32 @!p0 $0x100000, s1;
	[bflag:$0x2] =	sbarrier.arrive $0xFFFF  }
0x76: {  	[sflag:s0] =	ssyncadd.tile.s32 @!p0 $0x1;
	_ =	shalt  }
.Lfunc_end2:
_tile_overlayer_lowered:
.L_overlay_start_2:
0x77: {  	(tag) =	ssettag $0x2  }
0x78: {  	s0 =	rddreg [dreg:$0x0];
	s2 =	stileid.u32  }
0x79: {  	s1 =	rddreg [dreg:$0x1];
	p0 =	sne.s32 s2, $0x0  }
0x7a: {  	s3 =	rddreg [dreg:$0x2];
	[bflag:$0x3] =	sbarrier.arrive $0xFFFF;
	s2 =	simm.s32 @!p0 $0x1C07  }
0x7b: {  	[timem:s3], [sflag:s2] =	dma.local @!p0 [hbm:s0], s1  }
0x7c: {  	s0 =	simm.s32 @!p0 $0x7  }
0x7d: {  	_ =	swait.ge @!p0 [sflag:s0], s1  }
0x7e: {  	s1 =	ssub.s32 @!p0 $0x0, s1;
	[sflag:s0] =	ssyncset.done @!p0 $0x0  }
0x7f: {  	[sflag:s0] =	ssyncadd.s32 @!p0 s1  }
0x80: {  	[bflag:$0x3] =	sbarrier.arrive $0xFFFF  }
0x81: {  	_ =	shalt  }

</sc_bundles>
